<compile_context>
chip_gen: v7x
topology: tpu7x:2x2x1
jax: 0.10.2.dev20260603
libtpu: 0.0.44.dev20260713+nightly
codegen_flags: <defaults>
</compile_context>

<pallas_src>
import functools

import jax
import jax.numpy as jnp
from jax import lax
from jax.experimental import pallas as pl
from jax.experimental.pallas import tpu as pltpu
from jax.experimental.pallas import tpu_sc as plsc

E = 320000
V = 10000
D = 128

NC = 2
NS = 16
NW = NC * NS

CHUNK = 128
NCHUNKS = E // CHUNK
VP = 10240
VSLAB = VP // NS
VSTEP = 128
D16 = D // 16


def _matmul_body(x_ref, w_ref, o_ref):
    x = jnp.maximum(x_ref[...], 0.0)
    o_ref[...] = lax.dot_general(
        x, w_ref[...], (((1,), (1,)), ((), ())),
        preferred_element_type=jnp.float32)


def _relu_matmul(edge_feats, W):
    TM = 1280
    return pl.pallas_call(
        _matmul_body,
        grid=(E // TM,),
        in_specs=[
            pl.BlockSpec((TM, D), lambda i: (i, 0)),
            pl.BlockSpec((D, D), lambda i: (0, 0)),
        ],
        out_specs=pl.BlockSpec((TM, D), lambda i: (i, 0)),
        out_shape=jax.ShapeDtypeStruct((E, D), jnp.float32),
    )(edge_feats, W)


_MESH = plsc.VectorSubcoreMesh(core_axis_name="c", subcore_axis_name="s")


@functools.partial(
    pl.kernel,
    out_type=jax.ShapeDtypeStruct((NC, VP, D), jnp.float32),
    mesh=_MESH,
    scratch_types=[
        pltpu.VMEM_SHARED((VP, D), jnp.float32),
        pltpu.VMEM((CHUNK, D), jnp.float32),
        pltpu.VMEM((CHUNK,), jnp.int32),
    ],
)
def _scatter_kernel(p_hbm, dest_hbm, zero_hbm, part_hbm, accum_s, rows_v, idx_v):
    cid = lax.axis_index("c")
    sid = lax.axis_index("s")
    wid = sid * NC + cid

    slab = sid * VSLAB
    pltpu.sync_copy(zero_hbm.at[pl.ds(0, VSLAB), :],
                    accum_s.at[pl.ds(slab, VSLAB), :])
    plsc.subcore_barrier()

    nchunks = 78 + jnp.where(wid < NCHUNKS - 78 * NW, 1, 0)

    def body(k, _):
        off = (wid + k * NW) * CHUNK
        pltpu.sync_copy(dest_hbm.at[pl.ds(off, CHUNK)], idx_v)
        pltpu.sync_copy(p_hbm.at[pl.ds(off, CHUNK), :], rows_v)
        pltpu.sync_copy(rows_v, accum_s.at[idx_v], add=True)
        return 0

    lax.fori_loop(0, nchunks, body, 0)
    plsc.subcore_barrier()

    pltpu.sync_copy(accum_s.at[pl.ds(slab, VSLAB), :],
                    part_hbm.at[cid, pl.ds(slab, VSLAB), :])


@functools.partial(
    pl.kernel,
    out_type=jax.ShapeDtypeStruct((E, D), jnp.float32),
    mesh=_MESH,
    scratch_types=[
        pltpu.VMEM_SHARED((VP, D), jnp.float32),
        pltpu.VMEM((D,), jnp.float32),
        pltpu.VMEM((CHUNK, D), jnp.float32),
        pltpu.VMEM((CHUNK, D), jnp.float32),
        pltpu.VMEM((CHUNK,), jnp.int32),
        pltpu.VMEM((CHUNK,), jnp.int32),
    ],
)
def _gather_kernel(p_hbm, part_hbm, b_hbm, src_hbm, rev_hbm, out_hbm,
                   nmb_s, b_v, a_v, g_v, sidx_v, ridx_v):
    t0_v, t1_v = a_v, g_v
    cid = lax.axis_index("c")
    sid = lax.axis_index("s")
    wid = sid * NC + cid

    pltpu.sync_copy(b_hbm, b_v)

    def stage(m, _):
        r0 = sid * VSLAB + m * VSTEP
        pltpu.sync_copy(part_hbm.at[0, pl.ds(r0, VSTEP), :], t0_v)
        pltpu.sync_copy(part_hbm.at[1, pl.ds(r0, VSTEP), :], t1_v)

        def row(r, _):
            for j in range(D16):
                sl = pl.ds(j * 16, 16)
                t0_v[r, sl] = t0_v[r, sl] + t1_v[r, sl] + b_v[sl]
            return 0

        lax.fori_loop(0, VSTEP, row, 0)
        pltpu.sync_copy(t0_v, nmb_s.at[pl.ds(r0, VSTEP), :])
        return 0

    lax.fori_loop(0, VSLAB // VSTEP, stage, 0)
    plsc.subcore_barrier()

    nchunks = 78 + jnp.where(wid < NCHUNKS - 78 * NW, 1, 0)

    def body(k, _):
        off = (wid + k * NW) * CHUNK
        pltpu.sync_copy(src_hbm.at[pl.ds(off, CHUNK)], sidx_v)
        pltpu.sync_copy(rev_hbm.at[pl.ds(off, CHUNK)], ridx_v)
        pltpu.sync_copy(nmb_s.at[sidx_v], a_v)
        pltpu.sync_copy(p_hbm.at[ridx_v], g_v)

        def row(r, _):
            for j in range(D16):
                sl = pl.ds(j * 16, 16)
                a_v[r, sl] = a_v[r, sl] - g_v[r, sl]
            return 0

        lax.fori_loop(0, CHUNK, row, 0)
        pltpu.sync_copy(a_v, out_hbm.at[pl.ds(off, CHUNK), :])
        return 0

    lax.fori_loop(0, nchunks, body, 0)


def kernel(edge_feats, node_feats, edge_index, rev_index, W, b):
    del node_feats
    src = edge_index[0]
    dest = edge_index[1]
    p = _relu_matmul(edge_feats, W)
    zeros = jnp.zeros((VSLAB, D), jnp.float32)
    partials = _scatter_kernel(p, dest, zeros)
    return _gather_kernel(p, partials, b, src, rev_index)

# --- scband reference (transcript-rebuilt; emitter-appended) ---
"""Pipeline reference for scband-chemprop-layer-9801115369511 (READ-ONLY COPY).

The authoritative reference and input builder live on the scoring server;
editing this copy changes nothing except your own understanding.
"""

import jax, jax.numpy as jnp
import numpy as np

E = 320000
V = 10000
D = 128


def setup_inputs(seed: int = 0) -> dict:
    key = jax.random.key(seed)
    k1, k2, k3, k4, k5, k6 = jax.random.split(key, 6)
    edge_feats = jax.random.normal(k1, (E, D), dtype=jnp.float32)
    node_feats = jax.random.normal(k2, (V, D), dtype=jnp.float32)
    edge_index = jax.random.randint(k3, (2, E), 0, V, dtype=jnp.int32)
    rev_index = jax.random.randint(k4, (E,), 0, E, dtype=jnp.int32)
    # Linear layer params (nn.Linear(hidden_dim, hidden_dim, bias=True))
    bound = 1.0 / np.sqrt(D)
    W = jax.random.uniform(k5, (D, D), dtype=jnp.float32, minval=-bound, maxval=bound)
    b = jax.random.uniform(k6, (D,), dtype=jnp.float32, minval=-bound, maxval=bound)
    return {"edge_feats": edge_feats, "node_feats": node_feats, "edge_index": edge_index, "rev_index": rev_index, "W": W, "b": b}


def reference(edge_feats, node_feats, edge_index, rev_index, W, b):
    src = edge_index[0]
    dest = edge_index[1]
    # self.act(edge_feats) with act = ReLU
    edge_hiddens = jax.nn.relu(edge_feats)
    messages = edge_hiddens
    # scatter(messages, dest, dim=0, dim_size=len(node_feats), reduce='sum')
    node_messages = jax.ops.segment_sum(messages, dest, num_segments=node_feats.shape[0])
    edge_messages = node_messages[src] - messages[rev_index]
    # self.update = Linear(hidden_dim, hidden_dim, bias) + Dropout(0.0) (identity in eval)
    out = edge_messages @ W.T + b
    return out

if __name__ == "__main__":
    import jax
    _d = setup_inputs()
    print(jax.jit(kernel)(*tuple(_d.values())))

</pallas_src>

<mosaic_0001>
#map = affine_map<(d0, d1) -> (0, 0)>
#map1 = affine_map<(d0, d1) -> (0)>
#map2 = affine_map<(d0, d1) -> (0, 0, 0)>
module attributes {stable_mosaic.version = 14 : i64} {
  func.func @_scatter_kernel(%arg0: i32, %arg1: i32, %arg2: memref<320000x128xf32, #tpu.memory_space<hbm>>, %arg3: memref<320000xi32, #tpu.memory_space<hbm>>, %arg4: memref<640x128xf32, #tpu.memory_space<hbm>>, %arg5: memref<2x10240x128xf32, #tpu.memory_space<hbm>>, %arg6: memref<10240x128xf32, #tpu.memory_space<vmem_shared>>, %arg7: memref<128x128xf32, #tpu.memory_space<vmem>>, %arg8: memref<128xi32, #tpu.memory_space<vmem>>) attributes {dimension_semantics = [#tpu.dimension_semantics<core_parallel>, #tpu.dimension_semantics<subcore_parallel>], iteration_bounds = array<i64: 2, 16>, scalar_prefetch = 0 : i64, scratch_operands = 3 : i64, tpu.core_type = #tpu.core_type<sc_vector_subcore>, window_params = [{transform_indices = #map}, {transform_indices = #map1}, {transform_indices = #map}, {transform_indices = #map2}]} {
    %mul3A = arith.constant 2 : i32
    %mul3A_0 = arith.muli %arg1, %mul3A : i32
    %add3A = arith.addi %mul3A_0, %arg0 : i32
    %mul3A_1 = arith.constant 640 : i32
    %mul3A_2 = arith.muli %arg1, %mul3A_1 : i32
    "tpu.region"() ({
      %run_scoped3A = tpu.sem_alloc : memref<!tpu.dma_semaphore, #tpu.memory_space<semaphore_mem>>
      %dma_start3A = arith.constant 0 : i32
      %dma_start3A_19 = tpu.memref_slice %arg6[%mul3A_2, %dma_start3A] : memref<10240x128xf32, #tpu.memory_space<vmem_shared>> -> memref<640x128xf32, #tpu.memory_space<vmem_shared>>
      %dma_start3A_20 = arith.constant 0 : i32
      %dma_start3A_21 = arith.constant 0 : i32
      %dma_start3A_22 = tpu.memref_slice %arg4[%dma_start3A_20, %dma_start3A_21] : memref<640x128xf32, #tpu.memory_space<hbm>> -> memref<640x128xf32, #tpu.memory_space<hbm>>
      tpu.enqueue_dma source(%dma_start3A_22 : memref<640x128xf32, #tpu.memory_space<hbm>>) target(%dma_start3A_19 : memref<640x128xf32, #tpu.memory_space<vmem_shared>>) target_semaphore(%run_scoped3A : memref<!tpu.dma_semaphore, #tpu.memory_space<semaphore_mem>>)
      %dma_wait3A = arith.constant 0 : i32
      %dma_wait3A_23 = tpu.memref_slice %arg6[%mul3A_2, %dma_wait3A] : memref<10240x128xf32, #tpu.memory_space<vmem_shared>> -> memref<640x128xf32, #tpu.memory_space<vmem_shared>>
      %dma_wait3A_24 = arith.constant 0 : i32
      %dma_wait3A_25 = arith.constant 0 : i32
      %dma_wait3A_26 = tpu.memref_slice %arg4[%dma_wait3A_24, %dma_wait3A_25] : memref<640x128xf32, #tpu.memory_space<hbm>> -> memref<640x128xf32, #tpu.memory_space<hbm>>
      tpu.wait_dma2 semaphore(%run_scoped3A : memref<!tpu.dma_semaphore, #tpu.memory_space<semaphore_mem>>) src(%dma_wait3A_26 : memref<640x128xf32, #tpu.memory_space<hbm>>) dst(%dma_wait3A_23 : memref<640x128xf32, #tpu.memory_space<vmem_shared>>)
      tpu.yield
    }) : () -> ()
    %barrier3A = arith.constant 0 : index
    tpu.barrier barrier_id(%barrier3A)
    %lt3A = arith.constant 4 : i32
    %lt3A_3 = arith.cmpi slt, %add3A, %lt3A : i32
    %jit3A = arith.constant 1 : i32
    %jit3A_4 = arith.constant 0 : i32
    %select_n3A = arith.select %lt3A_3, %jit3A, %jit3A_4 : i32
    %add3A_5 = arith.constant 78 : i32
    %add3A_6 = arith.addi %add3A_5, %select_n3A : i32
    %while3A = arith.constant 0 : i32
    %while3A_7 = arith.constant 0 : i32
    %while3A_8 = arith.subi %add3A_6, %while3A : i32
    %while3A_9 = arith.addi %while3A, %while3A_8 : i32
    %while3A_10 = arith.constant 1 : i32
    %while3A_11 = arith.divsi %while3A_8, %while3A_10 : i32
    %while3A_12 = arith.muli %while3A_11, %while3A_10 : i32
    %while3A_13 = arith.addi %while3A, %while3A_12 : i32
    %while3A_14 = arith.constant 1 : i32
    %while3A_15 = scf.for %while3A_19 = %while3A to %while3A_13 step %while3A_14 iter_args(%while3A_20 = %while3A_7) -> (i32)  : i32 {
      %mul3A_21 = arith.constant 32 : i32
      %mul3A_22 = arith.muli %while3A_19, %mul3A_21 : i32
      %add3A_23 = arith.addi %add3A, %mul3A_22 : i32
      %mul3A_24 = arith.constant 128 : i32
      %mul3A_25 = arith.muli %add3A_23, %mul3A_24 : i32
      "tpu.region"() ({
        %run_scoped3A = tpu.sem_alloc : memref<!tpu.dma_semaphore, #tpu.memory_space<semaphore_mem>>
        %dma_start3A = tpu.memref_slice %arg3[%mul3A_25] : memref<320000xi32, #tpu.memory_space<hbm>> -> memref<128xi32, #tpu.memory_space<hbm>>
        %dma_start3A_27 = tpu.memref_slice %arg3[%mul3A_25] : memref<320000xi32, #tpu.memory_space<hbm>> -> memref<128xi32, #tpu.memory_space<hbm>>
        tpu.enqueue_dma source(%dma_start3A_27 : memref<128xi32, #tpu.memory_space<hbm>>) target(%arg8 : memref<128xi32, #tpu.memory_space<vmem>>) target_semaphore(%run_scoped3A : memref<!tpu.dma_semaphore, #tpu.memory_space<semaphore_mem>>)
        %dma_wait3A = tpu.memref_slice %arg3[%mul3A_25] : memref<320000xi32, #tpu.memory_space<hbm>> -> memref<128xi32, #tpu.memory_space<hbm>>
        %dma_wait3A_28 = tpu.memref_slice %arg3[%mul3A_25] : memref<320000xi32, #tpu.memory_space<hbm>> -> memref<128xi32, #tpu.memory_space<hbm>>
        tpu.wait_dma2 semaphore(%run_scoped3A : memref<!tpu.dma_semaphore, #tpu.memory_space<semaphore_mem>>) src(%dma_wait3A_28 : memref<128xi32, #tpu.memory_space<hbm>>) dst(%arg8 : memref<128xi32, #tpu.memory_space<vmem>>)
        tpu.yield
      }) : () -> ()
      "tpu.region"() ({
        %run_scoped3A = tpu.sem_alloc : memref<!tpu.dma_semaphore, #tpu.memory_space<semaphore_mem>>
        %dma_start3A = arith.constant 0 : i32
        %dma_start3A_27 = tpu.memref_slice %arg2[%mul3A_25, %dma_start3A] : memref<320000x128xf32, #tpu.memory_space<hbm>> -> memref<128x128xf32, #tpu.memory_space<hbm>>
        %dma_start3A_28 = arith.constant 0 : i32
        %dma_start3A_29 = tpu.memref_slice %arg2[%mul3A_25, %dma_start3A_28] : memref<320000x128xf32, #tpu.memory_space<hbm>> -> memref<128x128xf32, #tpu.memory_space<hbm>>
        tpu.enqueue_dma source(%dma_start3A_29 : memref<128x128xf32, #tpu.memory_space<hbm>>) target(%arg7 : memref<128x128xf32, #tpu.memory_space<vmem>>) target_semaphore(%run_scoped3A : memref<!tpu.dma_semaphore, #tpu.memory_space<semaphore_mem>>)
        %dma_wait3A = arith.constant 0 : i32
        %dma_wait3A_30 = tpu.memref_slice %arg2[%mul3A_25, %dma_wait3A] : memref<320000x128xf32, #tpu.memory_space<hbm>> -> memref<128x128xf32, #tpu.memory_space<hbm>>
        %dma_wait3A_31 = arith.constant 0 : i32
        %dma_wait3A_32 = tpu.memref_slice %arg2[%mul3A_25, %dma_wait3A_31] : memref<320000x128xf32, #tpu.memory_space<hbm>> -> memref<128x128xf32, #tpu.memory_space<hbm>>
        tpu.wait_dma2 semaphore(%run_scoped3A : memref<!tpu.dma_semaphore, #tpu.memory_space<semaphore_mem>>) src(%dma_wait3A_32 : memref<128x128xf32, #tpu.memory_space<hbm>>) dst(%arg7 : memref<128x128xf32, #tpu.memory_space<vmem>>)
        tpu.yield
      }) : () -> ()
      "tpu.region"() ({
        %run_scoped3A = tpu.sem_alloc : memref<!tpu.dma_semaphore, #tpu.memory_space<semaphore_mem>>
        %dma_start3A = arith.constant 0 : i32
        %dma_start3A_27 = arith.constant 0 : i32
        %dma_start3A_28 = tpu.memref_slice %arg6[%dma_start3A, %dma_start3A_27] : memref<10240x128xf32, #tpu.memory_space<vmem_shared>> -> memref<10240x128xf32, #tpu.memory_space<vmem_shared>>
        tpu.enqueue_indirect_dma source(%arg7 : memref<128x128xf32, #tpu.memory_space<vmem>>) target(%dma_start3A_28 : memref<10240x128xf32, #tpu.memory_space<vmem_shared>>) offsets(%arg8 : memref<128xi32, #tpu.memory_space<vmem>>) semaphore(%run_scoped3A : memref<!tpu.dma_semaphore, #tpu.memory_space<semaphore_mem>>) {add = true}
        %dma_wait3A = arith.constant 0 : i32
        %dma_wait3A_29 = arith.constant 0 : i32
        %dma_wait3A_30 = tpu.memref_slice %arg6[%dma_wait3A, %dma_wait3A_29] : memref<10240x128xf32, #tpu.memory_space<vmem_shared>> -> memref<10240x128xf32, #tpu.memory_space<vmem_shared>>
        tpu.wait_indirect_dma semaphore(%run_scoped3A : memref<!tpu.dma_semaphore, #tpu.memory_space<semaphore_mem>>) src(%arg7 : memref<128x128xf32, #tpu.memory_space<vmem>>) dst(%dma_wait3A_30 : memref<10240x128xf32, #tpu.memory_space<vmem_shared>>)
        tpu.yield
      }) : () -> ()
      %while3A_26 = arith.constant 0 : i32
      scf.yield %while3A_26 : i32
    }
    %while3A_16 = arith.constant 1 : i32
    %while3A_17 = scf.for %while3A_19 = %while3A_13 to %while3A_9 step %while3A_16 iter_args(%while3A_20 = %while3A_15) -> (i32)  : i32 {
      %mul3A_21 = arith.constant 32 : i32
      %mul3A_22 = arith.muli %while3A_19, %mul3A_21 : i32
      %add3A_23 = arith.addi %add3A, %mul3A_22 : i32
      %mul3A_24 = arith.constant 128 : i32
      %mul3A_25 = arith.muli %add3A_23, %mul3A_24 : i32
      "tpu.region"() ({
        %run_scoped3A = tpu.sem_alloc : memref<!tpu.dma_semaphore, #tpu.memory_space<semaphore_mem>>
        %dma_start3A = tpu.memref_slice %arg3[%mul3A_25] : memref<320000xi32, #tpu.memory_space<hbm>> -> memref<128xi32, #tpu.memory_space<hbm>>
        %dma_start3A_27 = tpu.memref_slice %arg3[%mul3A_25] : memref<320000xi32, #tpu.memory_space<hbm>> -> memref<128xi32, #tpu.memory_space<hbm>>
        tpu.enqueue_dma source(%dma_start3A_27 : memref<128xi32, #tpu.memory_space<hbm>>) target(%arg8 : memref<128xi32, #tpu.memory_space<vmem>>) target_semaphore(%run_scoped3A : memref<!tpu.dma_semaphore, #tpu.memory_space<semaphore_mem>>)
        %dma_wait3A = tpu.memref_slice %arg3[%mul3A_25] : memref<320000xi32, #tpu.memory_space<hbm>> -> memref<128xi32, #tpu.memory_space<hbm>>
        %dma_wait3A_28 = tpu.memref_slice %arg3[%mul3A_25] : memref<320000xi32, #tpu.memory_space<hbm>> -> memref<128xi32, #tpu.memory_space<hbm>>
        tpu.wait_dma2 semaphore(%run_scoped3A : memref<!tpu.dma_semaphore, #tpu.memory_space<semaphore_mem>>) src(%dma_wait3A_28 : memref<128xi32, #tpu.memory_space<hbm>>) dst(%arg8 : memref<128xi32, #tpu.memory_space<vmem>>)
        tpu.yield
      }) : () -> ()
      "tpu.region"() ({
        %run_scoped3A = tpu.sem_alloc : memref<!tpu.dma_semaphore, #tpu.memory_space<semaphore_mem>>
        %dma_start3A = arith.constant 0 : i32
        %dma_start3A_27 = tpu.memref_slice %arg2[%mul3A_25, %dma_start3A] : memref<320000x128xf32, #tpu.memory_space<hbm>> -> memref<128x128xf32, #tpu.memory_space<hbm>>
        %dma_start3A_28 = arith.constant 0 : i32
        %dma_start3A_29 = tpu.memref_slice %arg2[%mul3A_25, %dma_start3A_28] : memref<320000x128xf32, #tpu.memory_space<hbm>> -> memref<128x128xf32, #tpu.memory_space<hbm>>
        tpu.enqueue_dma source(%dma_start3A_29 : memref<128x128xf32, #tpu.memory_space<hbm>>) target(%arg7 : memref<128x128xf32, #tpu.memory_space<vmem>>) target_semaphore(%run_scoped3A : memref<!tpu.dma_semaphore, #tpu.memory_space<semaphore_mem>>)
        %dma_wait3A = arith.constant 0 : i32
        %dma_wait3A_30 = tpu.memref_slice %arg2[%mul3A_25, %dma_wait3A] : memref<320000x128xf32, #tpu.memory_space<hbm>> -> memref<128x128xf32, #tpu.memory_space<hbm>>
        %dma_wait3A_31 = arith.constant 0 : i32
        %dma_wait3A_32 = tpu.memref_slice %arg2[%mul3A_25, %dma_wait3A_31] : memref<320000x128xf32, #tpu.memory_space<hbm>> -> memref<128x128xf32, #tpu.memory_space<hbm>>
        tpu.wait_dma2 semaphore(%run_scoped3A : memref<!tpu.dma_semaphore, #tpu.memory_space<semaphore_mem>>) src(%dma_wait3A_32 : memref<128x128xf32, #tpu.memory_space<hbm>>) dst(%arg7 : memref<128x128xf32, #tpu.memory_space<vmem>>)
        tpu.yield
      }) : () -> ()
      "tpu.region"() ({
        %run_scoped3A = tpu.sem_alloc : memref<!tpu.dma_semaphore, #tpu.memory_space<semaphore_mem>>
        %dma_start3A = arith.constant 0 : i32
        %dma_start3A_27 = arith.constant 0 : i32
        %dma_start3A_28 = tpu.memref_slice %arg6[%dma_start3A, %dma_start3A_27] : memref<10240x128xf32, #tpu.memory_space<vmem_shared>> -> memref<10240x128xf32, #tpu.memory_space<vmem_shared>>
        tpu.enqueue_indirect_dma source(%arg7 : memref<128x128xf32, #tpu.memory_space<vmem>>) target(%dma_start3A_28 : memref<10240x128xf32, #tpu.memory_space<vmem_shared>>) offsets(%arg8 : memref<128xi32, #tpu.memory_space<vmem>>) semaphore(%run_scoped3A : memref<!tpu.dma_semaphore, #tpu.memory_space<semaphore_mem>>) {add = true}
        %dma_wait3A = arith.constant 0 : i32
        %dma_wait3A_29 = arith.constant 0 : i32
        %dma_wait3A_30 = tpu.memref_slice %arg6[%dma_wait3A, %dma_wait3A_29] : memref<10240x128xf32, #tpu.memory_space<vmem_shared>> -> memref<10240x128xf32, #tpu.memory_space<vmem_shared>>
        tpu.wait_indirect_dma semaphore(%run_scoped3A : memref<!tpu.dma_semaphore, #tpu.memory_space<semaphore_mem>>) src(%arg7 : memref<128x128xf32, #tpu.memory_space<vmem>>) dst(%dma_wait3A_30 : memref<10240x128xf32, #tpu.memory_space<vmem_shared>>)
        tpu.yield
      }) : () -> ()
      %while3A_26 = arith.constant 0 : i32
      scf.yield %while3A_26 : i32
    }
    %barrier3A_18 = arith.constant 0 : index
    tpu.barrier barrier_id(%barrier3A_18)
    "tpu.region"() ({
      %run_scoped3A = tpu.sem_alloc : memref<!tpu.dma_semaphore, #tpu.memory_space<semaphore_mem>>
      %dma_start3A = arith.constant 0 : i32
      %dma_start3A_19 = tpu.memref_slice %arg5[%arg0, %mul3A_2, %dma_start3A] : memref<2x10240x128xf32, #tpu.memory_space<hbm>> -> memref<1x640x128xf32, #tpu.memory_space<hbm>>
      %dma_start3A_20 = tpu.memref_squeeze %dma_start3A_19 : memref<1x640x128xf32, #tpu.memory_space<hbm>> -> memref<640x128xf32, #tpu.memory_space<hbm>>
      %dma_start3A_21 = arith.constant 0 : i32
      %dma_start3A_22 = tpu.memref_slice %arg6[%mul3A_2, %dma_start3A_21] : memref<10240x128xf32, #tpu.memory_space<vmem_shared>> -> memref<640x128xf32, #tpu.memory_space<vmem_shared>>
      tpu.enqueue_dma source(%dma_start3A_22 : memref<640x128xf32, #tpu.memory_space<vmem_shared>>) target(%dma_start3A_20 : memref<640x128xf32, #tpu.memory_space<hbm>>) target_semaphore(%run_scoped3A : memref<!tpu.dma_semaphore, #tpu.memory_space<semaphore_mem>>)
      %dma_wait3A = arith.constant 0 : i32
      %dma_wait3A_23 = tpu.memref_slice %arg5[%arg0, %mul3A_2, %dma_wait3A] : memref<2x10240x128xf32, #tpu.memory_space<hbm>> -> memref<1x640x128xf32, #tpu.memory_space<hbm>>
      %dma_wait3A_24 = tpu.memref_squeeze %dma_wait3A_23 : memref<1x640x128xf32, #tpu.memory_space<hbm>> -> memref<640x128xf32, #tpu.memory_space<hbm>>
      %dma_wait3A_25 = arith.constant 0 : i32
      %dma_wait3A_26 = tpu.memref_slice %arg6[%mul3A_2, %dma_wait3A_25] : memref<10240x128xf32, #tpu.memory_space<vmem_shared>> -> memref<640x128xf32, #tpu.memory_space<vmem_shared>>
      tpu.wait_dma2 semaphore(%run_scoped3A : memref<!tpu.dma_semaphore, #tpu.memory_space<semaphore_mem>>) src(%dma_wait3A_26 : memref<640x128xf32, #tpu.memory_space<vmem_shared>>) dst(%dma_wait3A_24 : memref<640x128xf32, #tpu.memory_space<hbm>>)
      tpu.yield
    }) : () -> ()
    return
  }
}

#map = affine_map<(d0, d1) -> (0, 0)>
#map1 = affine_map<(d0, d1) -> (0, 0, 0)>
#map2 = affine_map<(d0, d1) -> (0)>
module attributes {stable_mosaic.version = 14 : i64} {
  func.func @_gather_kernel(%arg0: i32, %arg1: i32, %arg2: memref<320000x128xf32, #tpu.memory_space<hbm>>, %arg3: memref<2x10240x128xf32, #tpu.memory_space<hbm>>, %arg4: memref<128xf32, #tpu.memory_space<hbm>>, %arg5: memref<320000xi32, #tpu.memory_space<hbm>>, %arg6: memref<320000xi32, #tpu.memory_space<hbm>>, %arg7: memref<320000x128xf32, #tpu.memory_space<hbm>>, %arg8: memref<10240x128xf32, #tpu.memory_space<vmem_shared>>, %arg9: memref<128xf32, #tpu.memory_space<vmem>>, %arg10: memref<128x128xf32, #tpu.memory_space<vmem>>, %arg11: memref<128x128xf32, #tpu.memory_space<vmem>>, %arg12: memref<128xi32, #tpu.memory_space<vmem>>, %arg13: memref<128xi32, #tpu.memory_space<vmem>>) attributes {dimension_semantics = [#tpu.dimension_semantics<core_parallel>, #tpu.dimension_semantics<subcore_parallel>], iteration_bounds = array<i64: 2, 16>, scalar_prefetch = 0 : i64, scratch_operands = 6 : i64, tpu.core_type = #tpu.core_type<sc_vector_subcore>, window_params = [{transform_indices = #map}, {transform_indices = #map1}, {transform_indices = #map2}, {transform_indices = #map2}, {transform_indices = #map2}, {transform_indices = #map}]} {
    %mul3A = arith.constant 2 : i32
    %mul3A_0 = arith.muli %arg1, %mul3A : i32
    %add3A = arith.addi %mul3A_0, %arg0 : i32
    "tpu.region"() ({
      %run_scoped3A = tpu.sem_alloc : memref<!tpu.dma_semaphore, #tpu.memory_space<semaphore_mem>>
      tpu.enqueue_dma source(%arg4 : memref<128xf32, #tpu.memory_space<hbm>>) target(%arg9 : memref<128xf32, #tpu.memory_space<vmem>>) target_semaphore(%run_scoped3A : memref<!tpu.dma_semaphore, #tpu.memory_space<semaphore_mem>>)
      tpu.wait_dma2 semaphore(%run_scoped3A : memref<!tpu.dma_semaphore, #tpu.memory_space<semaphore_mem>>) src(%arg4 : memref<128xf32, #tpu.memory_space<hbm>>) dst(%arg9 : memref<128xf32, #tpu.memory_space<vmem>>)
      tpu.yield
    }) : () -> ()
    %scan3A = arith.constant 0 : i32
    %scan3A_1 = arith.constant 0 : i32
    %scan3A_2 = arith.constant 5 : i32
    %scan3A_3 = arith.addi %scan3A_1, %scan3A_2 : i32
    %scan3A_4 = arith.constant 1 : i32
    %scan3A_5 = scf.for %scan3A_22 = %scan3A_1 to %scan3A_3 step %scan3A_4 iter_args(%scan3A_23 = %scan3A) -> (i32)  : i32 {
      %mul3A_24 = arith.constant 640 : i32
      %mul3A_25 = arith.muli %arg1, %mul3A_24 : i32
      %mul3A_26 = arith.constant 128 : i32
      %mul3A_27 = arith.muli %scan3A_22, %mul3A_26 : i32
      %add3A_28 = arith.addi %mul3A_25, %mul3A_27 : i32
      %run_scoped3A = arith.constant 0 : i32
      "tpu.region"() ({
        %run_scoped3A_38 = tpu.sem_alloc : memref<!tpu.dma_semaphore, #tpu.memory_space<semaphore_mem>>
        %dma_start3A = arith.constant 0 : i32
        %dma_start3A_39 = tpu.memref_slice %arg3[%run_scoped3A, %add3A_28, %dma_start3A] : memref<2x10240x128xf32, #tpu.memory_space<hbm>> -> memref<1x128x128xf32, #tpu.memory_space<hbm>>
        %dma_start3A_40 = tpu.memref_squeeze %dma_start3A_39 : memref<1x128x128xf32, #tpu.memory_space<hbm>> -> memref<128x128xf32, #tpu.memory_space<hbm>>
        %dma_start3A_41 = arith.constant 0 : i32
        %dma_start3A_42 = tpu.memref_slice %arg3[%run_scoped3A, %add3A_28, %dma_start3A_41] : memref<2x10240x128xf32, #tpu.memory_space<hbm>> -> memref<1x128x128xf32, #tpu.memory_space<hbm>>
        %dma_start3A_43 = tpu.memref_squeeze %dma_start3A_42 : memref<1x128x128xf32, #tpu.memory_space<hbm>> -> memref<128x128xf32, #tpu.memory_space<hbm>>
        tpu.enqueue_dma source(%dma_start3A_43 : memref<128x128xf32, #tpu.memory_space<hbm>>) target(%arg10 : memref<128x128xf32, #tpu.memory_space<vmem>>) target_semaphore(%run_scoped3A_38 : memref<!tpu.dma_semaphore, #tpu.memory_space<semaphore_mem>>)
        %dma_wait3A = arith.constant 0 : i32
        %dma_wait3A_44 = tpu.memref_slice %arg3[%run_scoped3A, %add3A_28, %dma_wait3A] : memref<2x10240x128xf32, #tpu.memory_space<hbm>> -> memref<1x128x128xf32, #tpu.memory_space<hbm>>
        %dma_wait3A_45 = tpu.memref_squeeze %dma_wait3A_44 : memref<1x128x128xf32, #tpu.memory_space<hbm>> -> memref<128x128xf32, #tpu.memory_space<hbm>>
        %dma_wait3A_46 = arith.constant 0 : i32
        %dma_wait3A_47 = tpu.memref_slice %arg3[%run_scoped3A, %add3A_28, %dma_wait3A_46] : memref<2x10240x128xf32, #tpu.memory_space<hbm>> -> memref<1x128x128xf32, #tpu.memory_space<hbm>>
        %dma_wait3A_48 = tpu.memref_squeeze %dma_wait3A_47 : memref<1x128x128xf32, #tpu.memory_space<hbm>> -> memref<128x128xf32, #tpu.memory_space<hbm>>
        tpu.wait_dma2 semaphore(%run_scoped3A_38 : memref<!tpu.dma_semaphore, #tpu.memory_space<semaphore_mem>>) src(%dma_wait3A_48 : memref<128x128xf32, #tpu.memory_space<hbm>>) dst(%arg10 : memref<128x128xf32, #tpu.memory_space<vmem>>)
        tpu.yield
      }) : () -> ()
      %run_scoped3A_29 = arith.constant 1 : i32
      "tpu.region"() ({
        %run_scoped3A_38 = tpu.sem_alloc : memref<!tpu.dma_semaphore, #tpu.memory_space<semaphore_mem>>
        %dma_start3A = arith.constant 0 : i32
        %dma_start3A_39 = tpu.memref_slice %arg3[%run_scoped3A_29, %add3A_28, %dma_start3A] : memref<2x10240x128xf32, #tpu.memory_space<hbm>> -> memref<1x128x128xf32, #tpu.memory_space<hbm>>
        %dma_start3A_40 = tpu.memref_squeeze %dma_start3A_39 : memref<1x128x128xf32, #tpu.memory_space<hbm>> -> memref<128x128xf32, #tpu.memory_space<hbm>>
        %dma_start3A_41 = arith.constant 0 : i32
        %dma_start3A_42 = tpu.memref_slice %arg3[%run_scoped3A_29, %add3A_28, %dma_start3A_41] : memref<2x10240x128xf32, #tpu.memory_space<hbm>> -> memref<1x128x128xf32, #tpu.memory_space<hbm>>
        %dma_start3A_43 = tpu.memref_squeeze %dma_start3A_42 : memref<1x128x128xf32, #tpu.memory_space<hbm>> -> memref<128x128xf32, #tpu.memory_space<hbm>>
        tpu.enqueue_dma source(%dma_start3A_43 : memref<128x128xf32, #tpu.memory_space<hbm>>) target(%arg11 : memref<128x128xf32, #tpu.memory_space<vmem>>) target_semaphore(%run_scoped3A_38 : memref<!tpu.dma_semaphore, #tpu.memory_space<semaphore_mem>>)
        %dma_wait3A = arith.constant 0 : i32
        %dma_wait3A_44 = tpu.memref_slice %arg3[%run_scoped3A_29, %add3A_28, %dma_wait3A] : memref<2x10240x128xf32, #tpu.memory_space<hbm>> -> memref<1x128x128xf32, #tpu.memory_space<hbm>>
        %dma_wait3A_45 = tpu.memref_squeeze %dma_wait3A_44 : memref<1x128x128xf32, #tpu.memory_space<hbm>> -> memref<128x128xf32, #tpu.memory_space<hbm>>
        %dma_wait3A_46 = arith.constant 0 : i32
        %dma_wait3A_47 = tpu.memref_slice %arg3[%run_scoped3A_29, %add3A_28, %dma_wait3A_46] : memref<2x10240x128xf32, #tpu.memory_space<hbm>> -> memref<1x128x128xf32, #tpu.memory_space<hbm>>
        %dma_wait3A_48 = tpu.memref_squeeze %dma_wait3A_47 : memref<1x128x128xf32, #tpu.memory_space<hbm>> -> memref<128x128xf32, #tpu.memory_space<hbm>>
        tpu.wait_dma2 semaphore(%run_scoped3A_38 : memref<!tpu.dma_semaphore, #tpu.memory_space<semaphore_mem>>) src(%dma_wait3A_48 : memref<128x128xf32, #tpu.memory_space<hbm>>) dst(%arg11 : memref<128x128xf32, #tpu.memory_space<vmem>>)
        tpu.yield
      }) : () -> ()
      %scan3A_30 = arith.constant 0 : i32
      %scan3A_31 = arith.constant 0 : i32
      %scan3A_32 = arith.constant 128 : i32
      %scan3A_33 = arith.addi %scan3A_31, %scan3A_32 : i32
      %scan3A_34 = arith.constant 1 : i32
      %scan3A_35 = scf.for %scan3A_38 = %scan3A_31 to %scan3A_33 step %scan3A_34 iter_args(%scan3A_39 = %scan3A_30) -> (i32)  : i32 {
        %get3A = arith.index_cast %scan3A_38 : i32 to index
        %get3A_40 = arith.constant 0 : index
        %get3A_41 = tpu.vector_load %arg10[%get3A, %get3A_40] {strides = array<i32>} : memref<128x128xf32, #tpu.memory_space<vmem>>, vector<1x16xf32>,
        %get3A_42 = vector.shape_cast %get3A_41 : vector<1x16xf32> to vector<16xf32>
        %get3A_43 = arith.index_cast %scan3A_38 : i32 to index
        %get3A_44 = arith.constant 0 : index
        %get3A_45 = tpu.vector_load %arg11[%get3A_43, %get3A_44] {strides = array<i32>} : memref<128x128xf32, #tpu.memory_space<vmem>>, vector<1x16xf32>,
        %get3A_46 = vector.shape_cast %get3A_45 : vector<1x16xf32> to vector<16xf32>
        %add3A_47 = arith.addf %get3A_42, %get3A_46 : vector<16xf32>
        %get3A_48 = arith.constant 0 : index
        %get3A_49 = tpu.vector_load %arg9[%get3A_48] {strides = array<i32>} : memref<128xf32, #tpu.memory_space<vmem>>, vector<16xf32>,
        %get3A_50 = vector.shape_cast %get3A_49 : vector<16xf32> to vector<16xf32>
        %add3A_51 = arith.addf %add3A_47, %get3A_50 : vector<16xf32>
        %swap3A = arith.index_cast %scan3A_38 : i32 to index
        %swap3A_52 = arith.constant 0 : index
        %swap3A_53 = tpu.vector_load %arg10[%swap3A, %swap3A_52] {strides = array<i32>} : memref<128x128xf32, #tpu.memory_space<vmem>>, vector<1x16xf32>,
        %swap3A_54 = vector.shape_cast %swap3A_53 : vector<1x16xf32> to vector<16xf32>
        %swap3A_55 = vector.shape_cast %add3A_51 : vector<16xf32> to vector<1x16xf32>
        tpu.vector_store %arg10[%swap3A, %swap3A_52], %swap3A_55 {strides = array<i32>} : memref<128x128xf32, #tpu.memory_space<vmem>>, vector<1x16xf32>,
        %get3A_56 = arith.index_cast %scan3A_38 : i32 to index
        %get3A_57 = arith.constant 16 : index
        %get3A_58 = tpu.vector_load %arg10[%get3A_56, %get3A_57] {strides = array<i32>} : memref<128x128xf32, #tpu.memory_space<vmem>>, vector<1x16xf32>,
        %get3A_59 = vector.shape_cast %get3A_58 : vector<1x16xf32> to vector<16xf32>
        %get3A_60 = arith.index_cast %scan3A_38 : i32 to index
        %get3A_61 = arith.constant 16 : index
        %get3A_62 = tpu.vector_load %arg11[%get3A_60, %get3A_61] {strides = array<i32>} : memref<128x128xf32, #tpu.memory_space<vmem>>, vector<1x16xf32>,
        %get3A_63 = vector.shape_cast %get3A_62 : vector<1x16xf32> to vector<16xf32>
        %add3A_64 = arith.addf %get3A_59, %get3A_63 : vector<16xf32>
        %get3A_65 = arith.constant 16 : index
        %get3A_66 = tpu.vector_load %arg9[%get3A_65] {strides = array<i32>} : memref<128xf32, #tpu.memory_space<vmem>>, vector<16xf32>,
        %get3A_67 = vector.shape_cast %get3A_66 : vector<16xf32> to vector<16xf32>
        %add3A_68 = arith.addf %add3A_64, %get3A_67 : vector<16xf32>
        %swap3A_69 = arith.index_cast %scan3A_38 : i32 to index
        %swap3A_70 = arith.constant 16 : index
        %swap3A_71 = tpu.vector_load %arg10[%swap3A_69, %swap3A_70] {strides = array<i32>} : memref<128x128xf32, #tpu.memory_space<vmem>>, vector<1x16xf32>,
        %swap3A_72 = vector.shape_cast %swap3A_71 : vector<1x16xf32> to vector<16xf32>
        %swap3A_73 = vector.shape_cast %add3A_68 : vector<16xf32> to vector<1x16xf32>
        tpu.vector_store %arg10[%swap3A_69, %swap3A_70], %swap3A_73 {strides = array<i32>} : memref<128x128xf32, #tpu.memory_space<vmem>>, vector<1x16xf32>,
        %get3A_74 = arith.index_cast %scan3A_38 : i32 to index
        %get3A_75 = arith.constant 32 : index
        %get3A_76 = tpu.vector_load %arg10[%get3A_74, %get3A_75] {strides = array<i32>} : memref<128x128xf32, #tpu.memory_space<vmem>>, vector<1x16xf32>,
        %get3A_77 = vector.shape_cast %get3A_76 : vector<1x16xf32> to vector<16xf32>
        %get3A_78 = arith.index_cast %scan3A_38 : i32 to index
        %get3A_79 = arith.constant 32 : index
        %get3A_80 = tpu.vector_load %arg11[%get3A_78, %get3A_79] {strides = array<i32>} : memref<128x128xf32, #tpu.memory_space<vmem>>, vector<1x16xf32>,
        %get3A_81 = vector.shape_cast %get3A_80 : vector<1x16xf32> to vector<16xf32>
        %add3A_82 = arith.addf %get3A_77, %get3A_81 : vector<16xf32>
        %get3A_83 = arith.constant 32 : index
        %get3A_84 = tpu.vector_load %arg9[%get3A_83] {strides = array<i32>} : memref<128xf32, #tpu.memory_space<vmem>>, vector<16xf32>,
        %get3A_85 = vector.shape_cast %get3A_84 : vector<16xf32> to vector<16xf32>
        %add3A_86 = arith.addf %add3A_82, %get3A_85 : vector<16xf32>
        %swap3A_87 = arith.index_cast %scan3A_38 : i32 to index
        %swap3A_88 = arith.constant 32 : index
        %swap3A_89 = tpu.vector_load %arg10[%swap3A_87, %swap3A_88] {strides = array<i32>} : memref<128x128xf32, #tpu.memory_space<vmem>>, vector<1x16xf32>,
        %swap3A_90 = vector.shape_cast %swap3A_89 : vector<1x16xf32> to vector<16xf32>
        %swap3A_91 = vector.shape_cast %add3A_86 : vector<16xf32> to vector<1x16xf32>
        tpu.vector_store %arg10[%swap3A_87, %swap3A_88], %swap3A_91 {strides = array<i32>} : memref<128x128xf32, #tpu.memory_space<vmem>>, vector<1x16xf32>,
        %get3A_92 = arith.index_cast %scan3A_38 : i32 to index
        %get3A_93 = arith.constant 48 : index
        %get3A_94 = tpu.vector_load %arg10[%get3A_92, %get3A_93] {strides = array<i32>} : memref<128x128xf32, #tpu.memory_space<vmem>>, vector<1x16xf32>,
        %get3A_95 = vector.shape_cast %get3A_94 : vector<1x16xf32> to vector<16xf32>
        %get3A_96 = arith.index_cast %scan3A_38 : i32 to index
        %get3A_97 = arith.constant 48 : index
        %get3A_98 = tpu.vector_load %arg11[%get3A_96, %get3A_97] {strides = array<i32>} : memref<128x128xf32, #tpu.memory_space<vmem>>, vector<1x16xf32>,
        %get3A_99 = vector.shape_cast %get3A_98 : vector<1x16xf32> to vector<16xf32>
        %add3A_100 = arith.addf %get3A_95, %get3A_99 : vector<16xf32>
        %get3A_101 = arith.constant 48 : index
        %get3A_102 = tpu.vector_load %arg9[%get3A_101] {strides = array<i32>} : memref<128xf32, #tpu.memory_space<vmem>>, vector<16xf32>,
        %get3A_103 = vector.shape_cast %get3A_102 : vector<16xf32> to vector<16xf32>
        %add3A_104 = arith.addf %add3A_100, %get3A_103 : vector<16xf32>
        %swap3A_105 = arith.index_cast %scan3A_38 : i32 to index
        %swap3A_106 = arith.constant 48 : index
        %swap3A_107 = tpu.vector_load %arg10[%swap3A_105, %swap3A_106] {strides = array<i32>} : memref<128x128xf32, #tpu.memory_space<vmem>>, vector<1x16xf32>,
        %swap3A_108 = vector.shape_cast %swap3A_107 : vector<1x16xf32> to vector<16xf32>
        %swap3A_109 = vector.shape_cast %add3A_104 : vector<16xf32> to vector<1x16xf32>
        tpu.vector_store %arg10[%swap3A_105, %swap3A_106], %swap3A_109 {strides = array<i32>} : memref<128x128xf32, #tpu.memory_space<vmem>>, vector<1x16xf32>,
        %get3A_110 = arith.index_cast %scan3A_38 : i32 to index
        %get3A_111 = arith.constant 64 : index
        %get3A_112 = tpu.vector_load %arg10[%get3A_110, %get3A_111] {strides = array<i32>} : memref<128x128xf32, #tpu.memory_space<vmem>>, vector<1x16xf32>,
        %get3A_113 = vector.shape_cast %get3A_112 : vector<1x16xf32> to vector<16xf32>
        %get3A_114 = arith.index_cast %scan3A_38 : i32 to index
        %get3A_115 = arith.constant 64 : index
        %get3A_116 = tpu.vector_load %arg11[%get3A_114, %get3A_115] {strides = array<i32>} : memref<128x128xf32, #tpu.memory_space<vmem>>, vector<1x16xf32>,
        %get3A_117 = vector.shape_cast %get3A_116 : vector<1x16xf32> to vector<16xf32>
        %add3A_118 = arith.addf %get3A_113, %get3A_117 : vector<16xf32>
        %get3A_119 = arith.constant 64 : index
        %get3A_120 = tpu.vector_load %arg9[%get3A_119] {strides = array<i32>} : memref<128xf32, #tpu.memory_space<vmem>>, vector<16xf32>,
        %get3A_121 = vector.shape_cast %get3A_120 : vector<16xf32> to vector<16xf32>
        %add3A_122 = arith.addf %add3A_118, %get3A_121 : vector<16xf32>
        %swap3A_123 = arith.index_cast %scan3A_38 : i32 to index
        %swap3A_124 = arith.constant 64 : index
        %swap3A_125 = tpu.vector_load %arg10[%swap3A_123, %swap3A_124] {strides = array<i32>} : memref<128x128xf32, #tpu.memory_space<vmem>>, vector<1x16xf32>,
        %swap3A_126 = vector.shape_cast %swap3A_125 : vector<1x16xf32> to vector<16xf32>
        %swap3A_127 = vector.shape_cast %add3A_122 : vector<16xf32> to vector<1x16xf32>
        tpu.vector_store %arg10[%swap3A_123, %swap3A_124], %swap3A_127 {strides = array<i32>} : memref<128x128xf32, #tpu.memory_space<vmem>>, vector<1x16xf32>,
        %get3A_128 = arith.index_cast %scan3A_38 : i32 to index
        %get3A_129 = arith.constant 80 : index
        %get3A_130 = tpu.vector_load %arg10[%get3A_128, %get3A_129] {strides = array<i32>} : memref<128x128xf32, #tpu.memory_space<vmem>>, vector<1x16xf32>,
        %get3A_131 = vector.shape_cast %get3A_130 : vector<1x16xf32> to vector<16xf32>
        %get3A_132 = arith.index_cast %scan3A_38 : i32 to index
        %get3A_133 = arith.constant 80 : index
        %get3A_134 = tpu.vector_load %arg11[%get3A_132, %get3A_133] {strides = array<i32>} : memref<128x128xf32, #tpu.memory_space<vmem>>, vector<1x16xf32>,
        %get3A_135 = vector.shape_cast %get3A_134 : vector<1x16xf32> to vector<16xf32>
        %add3A_136 = arith.addf %get3A_131, %get3A_135 : vector<16xf32>
        %get3A_137 = arith.constant 80 : index
        %get3A_138 = tpu.vector_load %arg9[%get3A_137] {strides = array<i32>} : memref<128xf32, #tpu.memory_space<vmem>>, vector<16xf32>,
        %get3A_139 = vector.shape_cast %get3A_138 : vector<16xf32> to vector<16xf32>
        %add3A_140 = arith.addf %add3A_136, %get3A_139 : vector<16xf32>
        %swap3A_141 = arith.index_cast %scan3A_38 : i32 to index
        %swap3A_142 = arith.constant 80 : index
        %swap3A_143 = tpu.vector_load %arg10[%swap3A_141, %swap3A_142] {strides = array<i32>} : memref<128x128xf32, #tpu.memory_space<vmem>>, vector<1x16xf32>,
        %swap3A_144 = vector.shape_cast %swap3A_143 : vector<1x16xf32> to vector<16xf32>
        %swap3A_145 = vector.shape_cast %add3A_140 : vector<16xf32> to vector<1x16xf32>
        tpu.vector_store %arg10[%swap3A_141, %swap3A_142], %swap3A_145 {strides = array<i32>} : memref<128x128xf32, #tpu.memory_space<vmem>>, vector<1x16xf32>,
        %get3A_146 = arith.index_cast %scan3A_38 : i32 to index
        %get3A_147 = arith.constant 96 : index
        %get3A_148 = tpu.vector_load %arg10[%get3A_146, %get3A_147] {strides = array<i32>} : memref<128x128xf32, #tpu.memory_space<vmem>>, vector<1x16xf32>,
        %get3A_149 = vector.shape_cast %get3A_148 : vector<1x16xf32> to vector<16xf32>
        %get3A_150 = arith.index_cast %scan3A_38 : i32 to index
        %get3A_151 = arith.constant 96 : index
        %get3A_152 = tpu.vector_load %arg11[%get3A_150, %get3A_151] {strides = array<i32>} : memref<128x128xf32, #tpu.memory_space<vmem>>, vector<1x16xf32>,
        %get3A_153 = vector.shape_cast %get3A_152 : vector<1x16xf32> to vector<16xf32>
        %add3A_154 = arith.addf %get3A_149, %get3A_153 : vector<16xf32>
        %get3A_155 = arith.constant 96 : index
        %get3A_156 = tpu.vector_load %arg9[%get3A_155] {strides = array<i32>} : memref<128xf32, #tpu.memory_space<vmem>>, vector<16xf32>,
        %get3A_157 = vector.shape_cast %get3A_156 : vector<16xf32> to vector<16xf32>
        %add3A_158 = arith.addf %add3A_154, %get3A_157 : vector<16xf32>
        %swap3A_159 = arith.index_cast %scan3A_38 : i32 to index
        %swap3A_160 = arith.constant 96 : index
        %swap3A_161 = tpu.vector_load %arg10[%swap3A_159, %swap3A_160] {strides = array<i32>} : memref<128x128xf32, #tpu.memory_space<vmem>>, vector<1x16xf32>,
        %swap3A_162 = vector.shape_cast %swap3A_161 : vector<1x16xf32> to vector<16xf32>
        %swap3A_163 = vector.shape_cast %add3A_158 : vector<16xf32> to vector<1x16xf32>
        tpu.vector_store %arg10[%swap3A_159, %swap3A_160], %swap3A_163 {strides = array<i32>} : memref<128x128xf32, #tpu.memory_space<vmem>>, vector<1x16xf32>,
        %get3A_164 = arith.index_cast %scan3A_38 : i32 to index
        %get3A_165 = arith.constant 112 : index
        %get3A_166 = tpu.vector_load %arg10[%get3A_164, %get3A_165] {strides = array<i32>} : memref<128x128xf32, #tpu.memory_space<vmem>>, vector<1x16xf32>,
        %get3A_167 = vector.shape_cast %get3A_166 : vector<1x16xf32> to vector<16xf32>
        %get3A_168 = arith.index_cast %scan3A_38 : i32 to index
        %get3A_169 = arith.constant 112 : index
        %get3A_170 = tpu.vector_load %arg11[%get3A_168, %get3A_169] {strides = array<i32>} : memref<128x128xf32, #tpu.memory_space<vmem>>, vector<1x16xf32>,
        %get3A_171 = vector.shape_cast %get3A_170 : vector<1x16xf32> to vector<16xf32>
        %add3A_172 = arith.addf %get3A_167, %get3A_171 : vector<16xf32>
        %get3A_173 = arith.constant 112 : index
        %get3A_174 = tpu.vector_load %arg9[%get3A_173] {strides = array<i32>} : memref<128xf32, #tpu.memory_space<vmem>>, vector<16xf32>,
        %get3A_175 = vector.shape_cast %get3A_174 : vector<16xf32> to vector<16xf32>
        %add3A_176 = arith.addf %add3A_172, %get3A_175 : vector<16xf32>
        %swap3A_177 = arith.index_cast %scan3A_38 : i32 to index
        %swap3A_178 = arith.constant 112 : index
        %swap3A_179 = tpu.vector_load %arg10[%swap3A_177, %swap3A_178] {strides = array<i32>} : memref<128x128xf32, #tpu.memory_space<vmem>>, vector<1x16xf32>,
        %swap3A_180 = vector.shape_cast %swap3A_179 : vector<1x16xf32> to vector<16xf32>
        %swap3A_181 = vector.shape_cast %add3A_176 : vector<16xf32> to vector<1x16xf32>
        tpu.vector_store %arg10[%swap3A_177, %swap3A_178], %swap3A_181 {strides = array<i32>} : memref<128x128xf32, #tpu.memory_space<vmem>>, vector<1x16xf32>,
        %scan3A_182 = arith.constant 0 : i32
        scf.yield %scan3A_182 : i32
      }
      %scan3A_36 = arith.constant 128 : i32
      "tpu.region"() ({
        %run_scoped3A_38 = tpu.sem_alloc : memref<!tpu.dma_semaphore, #tpu.memory_space<semaphore_mem>>
        %dma_start3A = arith.constant 0 : i32
        %dma_start3A_39 = tpu.memref_slice %arg8[%add3A_28, %dma_start3A] : memref<10240x128xf32, #tpu.memory_space<vmem_shared>> -> memref<128x128xf32, #tpu.memory_space<vmem_shared>>
        %dma_start3A_40 = arith.constant 0 : i32
        %dma_start3A_41 = tpu.memref_slice %arg8[%add3A_28, %dma_start3A_40] : memref<10240x128xf32, #tpu.memory_space<vmem_shared>> -> memref<128x128xf32, #tpu.memory_space<vmem_shared>>
        tpu.enqueue_dma source(%arg10 : memref<128x128xf32, #tpu.memory_space<vmem>>) target(%dma_start3A_41 : memref<128x128xf32, #tpu.memory_space<vmem_shared>>) target_semaphore(%run_scoped3A_38 : memref<!tpu.dma_semaphore, #tpu.memory_space<semaphore_mem>>)
        %dma_wait3A = arith.constant 0 : i32
        %dma_wait3A_42 = tpu.memref_slice %arg8[%add3A_28, %dma_wait3A] : memref<10240x128xf32, #tpu.memory_space<vmem_shared>> -> memref<128x128xf32, #tpu.memory_space<vmem_shared>>
        %dma_wait3A_43 = arith.constant 0 : i32
        %dma_wait3A_44 = tpu.memref_slice %arg8[%add3A_28, %dma_wait3A_43] : memref<10240x128xf32, #tpu.memory_space<vmem_shared>> -> memref<128x128xf32, #tpu.memory_space<vmem_shared>>
        tpu.wait_dma2 semaphore(%run_scoped3A_38 : memref<!tpu.dma_semaphore, #tpu.memory_space<semaphore_mem>>) src(%arg10 : memref<128x128xf32, #tpu.memory_space<vmem>>) dst(%dma_wait3A_44 : memref<128x128xf32, #tpu.memory_space<vmem_shared>>)
        tpu.yield
      }) : () -> ()
      %scan3A_37 = arith.constant 0 : i32
      scf.yield %scan3A_37 : i32
    }
    %scan3A_6 = arith.constant 5 : i32
    %barrier3A = arith.constant 0 : index
    tpu.barrier barrier_id(%barrier3A)
    %lt3A = arith.constant 4 : i32
    %lt3A_7 = arith.cmpi slt, %add3A, %lt3A : i32
    %jit3A = arith.constant 1 : i32
    %jit3A_8 = arith.constant 0 : i32
    %select_n3A = arith.select %lt3A_7, %jit3A, %jit3A_8 : i32
    %add3A_9 = arith.constant 78 : i32
    %add3A_10 = arith.addi %add3A_9, %select_n3A : i32
    %while3A = arith.constant 0 : i32
    %while3A_11 = arith.constant 0 : i32
    %while3A_12 = arith.subi %add3A_10, %while3A : i32
    %while3A_13 = arith.addi %while3A, %while3A_12 : i32
    %while3A_14 = arith.constant 1 : i32
    %while3A_15 = arith.divsi %while3A_12, %while3A_14 : i32
    %while3A_16 = arith.muli %while3A_15, %while3A_14 : i32
    %while3A_17 = arith.addi %while3A, %while3A_16 : i32
    %while3A_18 = arith.constant 1 : i32
    %while3A_19 = scf.for %while3A_22 = %while3A to %while3A_17 step %while3A_18 iter_args(%while3A_23 = %while3A_11) -> (i32)  : i32 {
      %mul3A_24 = arith.constant 32 : i32
      %mul3A_25 = arith.muli %while3A_22, %mul3A_24 : i32
      %add3A_26 = arith.addi %add3A, %mul3A_25 : i32
      %mul3A_27 = arith.constant 128 : i32
      %mul3A_28 = arith.muli %add3A_26, %mul3A_27 : i32
      "tpu.region"() ({
        %run_scoped3A = tpu.sem_alloc : memref<!tpu.dma_semaphore, #tpu.memory_space<semaphore_mem>>
        %dma_start3A = tpu.memref_slice %arg5[%mul3A_28] : memref<320000xi32, #tpu.memory_space<hbm>> -> memref<128xi32, #tpu.memory_space<hbm>>
        %dma_start3A_37 = tpu.memref_slice %arg5[%mul3A_28] : memref<320000xi32, #tpu.memory_space<hbm>> -> memref<128xi32, #tpu.memory_space<hbm>>
        tpu.enqueue_dma source(%dma_start3A_37 : memref<128xi32, #tpu.memory_space<hbm>>) target(%arg12 : memref<128xi32, #tpu.memory_space<vmem>>) target_semaphore(%run_scoped3A : memref<!tpu.dma_semaphore, #tpu.memory_space<semaphore_mem>>)
        %dma_wait3A = tpu.memref_slice %arg5[%mul3A_28] : memref<320000xi32, #tpu.memory_space<hbm>> -> memref<128xi32, #tpu.memory_space<hbm>>
        %dma_wait3A_38 = tpu.memref_slice %arg5[%mul3A_28] : memref<320000xi32, #tpu.memory_space<hbm>> -> memref<128xi32, #tpu.memory_space<hbm>>
        tpu.wait_dma2 semaphore(%run_scoped3A : memref<!tpu.dma_semaphore, #tpu.memory_space<semaphore_mem>>) src(%dma_wait3A_38 : memref<128xi32, #tpu.memory_space<hbm>>) dst(%arg12 : memref<128xi32, #tpu.memory_space<vmem>>)
        tpu.yield
      }) : () -> ()
      "tpu.region"() ({
        %run_scoped3A = tpu.sem_alloc : memref<!tpu.dma_semaphore, #tpu.memory_space<semaphore_mem>>
        %dma_start3A = tpu.memref_slice %arg6[%mul3A_28] : memref<320000xi32, #tpu.memory_space<hbm>> -> memref<128xi32, #tpu.memory_space<hbm>>
        %dma_start3A_37 = tpu.memref_slice %arg6[%mul3A_28] : memref<320000xi32, #tpu.memory_space<hbm>> -> memref<128xi32, #tpu.memory_space<hbm>>
        tpu.enqueue_dma source(%dma_start3A_37 : memref<128xi32, #tpu.memory_space<hbm>>) target(%arg13 : memref<128xi32, #tpu.memory_space<vmem>>) target_semaphore(%run_scoped3A : memref<!tpu.dma_semaphore, #tpu.memory_space<semaphore_mem>>)
        %dma_wait3A = tpu.memref_slice %arg6[%mul3A_28] : memref<320000xi32, #tpu.memory_space<hbm>> -> memref<128xi32, #tpu.memory_space<hbm>>
        %dma_wait3A_38 = tpu.memref_slice %arg6[%mul3A_28] : memref<320000xi32, #tpu.memory_space<hbm>> -> memref<128xi32, #tpu.memory_space<hbm>>
        tpu.wait_dma2 semaphore(%run_scoped3A : memref<!tpu.dma_semaphore, #tpu.memory_space<semaphore_mem>>) src(%dma_wait3A_38 : memref<128xi32, #tpu.memory_space<hbm>>) dst(%arg13 : memref<128xi32, #tpu.memory_space<vmem>>)
        tpu.yield
      }) : () -> ()
      "tpu.region"() ({
        %run_scoped3A = tpu.sem_alloc : memref<!tpu.dma_semaphore, #tpu.memory_space<semaphore_mem>>
        %dma_start3A = arith.constant 0 : i32
        %dma_start3A_37 = arith.constant 0 : i32
        %dma_start3A_38 = tpu.memref_slice %arg8[%dma_start3A, %dma_start3A_37] : memref<10240x128xf32, #tpu.memory_space<vmem_shared>> -> memref<10240x128xf32, #tpu.memory_space<vmem_shared>>
        tpu.enqueue_indirect_dma source(%dma_start3A_38 : memref<10240x128xf32, #tpu.memory_space<vmem_shared>>) target(%arg10 : memref<128x128xf32, #tpu.memory_space<vmem>>) offsets(%arg12 : memref<128xi32, #tpu.memory_space<vmem>>) semaphore(%run_scoped3A : memref<!tpu.dma_semaphore, #tpu.memory_space<semaphore_mem>>)
        %dma_wait3A = arith.constant 0 : i32
        %dma_wait3A_39 = arith.constant 0 : i32
        %dma_wait3A_40 = tpu.memref_slice %arg8[%dma_wait3A, %dma_wait3A_39] : memref<10240x128xf32, #tpu.memory_space<vmem_shared>> -> memref<10240x128xf32, #tpu.memory_space<vmem_shared>>
        tpu.wait_indirect_dma semaphore(%run_scoped3A : memref<!tpu.dma_semaphore, #tpu.memory_space<semaphore_mem>>) src(%dma_wait3A_40 : memref<10240x128xf32, #tpu.memory_space<vmem_shared>>) dst(%arg10 : memref<128x128xf32, #tpu.memory_space<vmem>>)
        tpu.yield
      }) : () -> ()
      "tpu.region"() ({
        %run_scoped3A = tpu.sem_alloc : memref<!tpu.dma_semaphore, #tpu.memory_space<semaphore_mem>>
        %dma_start3A = arith.constant 0 : i32
        %dma_start3A_37 = arith.constant 0 : i32
        %dma_start3A_38 = tpu.memref_slice %arg2[%dma_start3A, %dma_start3A_37] : memref<320000x128xf32, #tpu.memory_space<hbm>> -> memref<320000x128xf32, #tpu.memory_space<hbm>>
        tpu.enqueue_indirect_dma source(%dma_start3A_38 : memref<320000x128xf32, #tpu.memory_space<hbm>>) target(%arg11 : memref<128x128xf32, #tpu.memory_space<vmem>>) offsets(%arg13 : memref<128xi32, #tpu.memory_space<vmem>>) semaphore(%run_scoped3A : memref<!tpu.dma_semaphore, #tpu.memory_space<semaphore_mem>>)
        %dma_wait3A = arith.constant 0 : i32
        %dma_wait3A_39 = arith.constant 0 : i32
        %dma_wait3A_40 = tpu.memref_slice %arg2[%dma_wait3A, %dma_wait3A_39] : memref<320000x128xf32, #tpu.memory_space<hbm>> -> memref<320000x128xf32, #tpu.memory_space<hbm>>
        tpu.wait_indirect_dma semaphore(%run_scoped3A : memref<!tpu.dma_semaphore, #tpu.memory_space<semaphore_mem>>) src(%dma_wait3A_40 : memref<320000x128xf32, #tpu.memory_space<hbm>>) dst(%arg11 : memref<128x128xf32, #tpu.memory_space<vmem>>)
        tpu.yield
      }) : () -> ()
      %scan3A_29 = arith.constant 0 : i32
      %scan3A_30 = arith.constant 0 : i32
      %scan3A_31 = arith.constant 128 : i32
      %scan3A_32 = arith.addi %scan3A_30, %scan3A_31 : i32
      %scan3A_33 = arith.constant 1 : i32
      %scan3A_34 = scf.for %scan3A_37 = %scan3A_30 to %scan3A_32 step %scan3A_33 iter_args(%scan3A_38 = %scan3A_29) -> (i32)  : i32 {
        %get3A = arith.index_cast %scan3A_37 : i32 to index
        %get3A_39 = arith.constant 0 : index
        %get3A_40 = tpu.vector_load %arg10[%get3A, %get3A_39] {strides = array<i32>} : memref<128x128xf32, #tpu.memory_space<vmem>>, vector<1x16xf32>,
        %get3A_41 = vector.shape_cast %get3A_40 : vector<1x16xf32> to vector<16xf32>
        %get3A_42 = arith.index_cast %scan3A_37 : i32 to index
        %get3A_43 = arith.constant 0 : index
        %get3A_44 = tpu.vector_load %arg11[%get3A_42, %get3A_43] {strides = array<i32>} : memref<128x128xf32, #tpu.memory_space<vmem>>, vector<1x16xf32>,
        %get3A_45 = vector.shape_cast %get3A_44 : vector<1x16xf32> to vector<16xf32>
        %sub3A = arith.subf %get3A_41, %get3A_45 : vector<16xf32>
        %swap3A = arith.index_cast %scan3A_37 : i32 to index
        %swap3A_46 = arith.constant 0 : index
        %swap3A_47 = tpu.vector_load %arg10[%swap3A, %swap3A_46] {strides = array<i32>} : memref<128x128xf32, #tpu.memory_space<vmem>>, vector<1x16xf32>,
        %swap3A_48 = vector.shape_cast %swap3A_47 : vector<1x16xf32> to vector<16xf32>
        %swap3A_49 = vector.shape_cast %sub3A : vector<16xf32> to vector<1x16xf32>
        tpu.vector_store %arg10[%swap3A, %swap3A_46], %swap3A_49 {strides = array<i32>} : memref<128x128xf32, #tpu.memory_space<vmem>>, vector<1x16xf32>,
        %get3A_50 = arith.index_cast %scan3A_37 : i32 to index
        %get3A_51 = arith.constant 16 : index
        %get3A_52 = tpu.vector_load %arg10[%get3A_50, %get3A_51] {strides = array<i32>} : memref<128x128xf32, #tpu.memory_space<vmem>>, vector<1x16xf32>,
        %get3A_53 = vector.shape_cast %get3A_52 : vector<1x16xf32> to vector<16xf32>
        %get3A_54 = arith.index_cast %scan3A_37 : i32 to index
        %get3A_55 = arith.constant 16 : index
        %get3A_56 = tpu.vector_load %arg11[%get3A_54, %get3A_55] {strides = array<i32>} : memref<128x128xf32, #tpu.memory_space<vmem>>, vector<1x16xf32>,
        %get3A_57 = vector.shape_cast %get3A_56 : vector<1x16xf32> to vector<16xf32>
        %sub3A_58 = arith.subf %get3A_53, %get3A_57 : vector<16xf32>
        %swap3A_59 = arith.index_cast %scan3A_37 : i32 to index
        %swap3A_60 = arith.constant 16 : index
        %swap3A_61 = tpu.vector_load %arg10[%swap3A_59, %swap3A_60] {strides = array<i32>} : memref<128x128xf32, #tpu.memory_space<vmem>>, vector<1x16xf32>,
        %swap3A_62 = vector.shape_cast %swap3A_61 : vector<1x16xf32> to vector<16xf32>
        %swap3A_63 = vector.shape_cast %sub3A_58 : vector<16xf32> to vector<1x16xf32>
        tpu.vector_store %arg10[%swap3A_59, %swap3A_60], %swap3A_63 {strides = array<i32>} : memref<128x128xf32, #tpu.memory_space<vmem>>, vector<1x16xf32>,
        %get3A_64 = arith.index_cast %scan3A_37 : i32 to index
        %get3A_65 = arith.constant 32 : index
        %get3A_66 = tpu.vector_load %arg10[%get3A_64, %get3A_65] {strides = array<i32>} : memref<128x128xf32, #tpu.memory_space<vmem>>, vector<1x16xf32>,
        %get3A_67 = vector.shape_cast %get3A_66 : vector<1x16xf32> to vector<16xf32>
        %get3A_68 = arith.index_cast %scan3A_37 : i32 to index
        %get3A_69 = arith.constant 32 : index
        %get3A_70 = tpu.vector_load %arg11[%get3A_68, %get3A_69] {strides = array<i32>} : memref<128x128xf32, #tpu.memory_space<vmem>>, vector<1x16xf32>,
        %get3A_71 = vector.shape_cast %get3A_70 : vector<1x16xf32> to vector<16xf32>
        %sub3A_72 = arith.subf %get3A_67, %get3A_71 : vector<16xf32>
        %swap3A_73 = arith.index_cast %scan3A_37 : i32 to index
        %swap3A_74 = arith.constant 32 : index
        %swap3A_75 = tpu.vector_load %arg10[%swap3A_73, %swap3A_74] {strides = array<i32>} : memref<128x128xf32, #tpu.memory_space<vmem>>, vector<1x16xf32>,
        %swap3A_76 = vector.shape_cast %swap3A_75 : vector<1x16xf32> to vector<16xf32>
        %swap3A_77 = vector.shape_cast %sub3A_72 : vector<16xf32> to vector<1x16xf32>
        tpu.vector_store %arg10[%swap3A_73, %swap3A_74], %swap3A_77 {strides = array<i32>} : memref<128x128xf32, #tpu.memory_space<vmem>>, vector<1x16xf32>,
        %get3A_78 = arith.index_cast %scan3A_37 : i32 to index
        %get3A_79 = arith.constant 48 : index
        %get3A_80 = tpu.vector_load %arg10[%get3A_78, %get3A_79] {strides = array<i32>} : memref<128x128xf32, #tpu.memory_space<vmem>>, vector<1x16xf32>,
        %get3A_81 = vector.shape_cast %get3A_80 : vector<1x16xf32> to vector<16xf32>
        %get3A_82 = arith.index_cast %scan3A_37 : i32 to index
        %get3A_83 = arith.constant 48 : index
        %get3A_84 = tpu.vector_load %arg11[%get3A_82, %get3A_83] {strides = array<i32>} : memref<128x128xf32, #tpu.memory_space<vmem>>, vector<1x16xf32>,
        %get3A_85 = vector.shape_cast %get3A_84 : vector<1x16xf32> to vector<16xf32>
        %sub3A_86 = arith.subf %get3A_81, %get3A_85 : vector<16xf32>
        %swap3A_87 = arith.index_cast %scan3A_37 : i32 to index
        %swap3A_88 = arith.constant 48 : index
        %swap3A_89 = tpu.vector_load %arg10[%swap3A_87, %swap3A_88] {strides = array<i32>} : memref<128x128xf32, #tpu.memory_space<vmem>>, vector<1x16xf32>,
        %swap3A_90 = vector.shape_cast %swap3A_89 : vector<1x16xf32> to vector<16xf32>
        %swap3A_91 = vector.shape_cast %sub3A_86 : vector<16xf32> to vector<1x16xf32>
        tpu.vector_store %arg10[%swap3A_87, %swap3A_88], %swap3A_91 {strides = array<i32>} : memref<128x128xf32, #tpu.memory_space<vmem>>, vector<1x16xf32>,
        %get3A_92 = arith.index_cast %scan3A_37 : i32 to index
        %get3A_93 = arith.constant 64 : index
        %get3A_94 = tpu.vector_load %arg10[%get3A_92, %get3A_93] {strides = array<i32>} : memref<128x128xf32, #tpu.memory_space<vmem>>, vector<1x16xf32>,
        %get3A_95 = vector.shape_cast %get3A_94 : vector<1x16xf32> to vector<16xf32>
        %get3A_96 = arith.index_cast %scan3A_37 : i32 to index
        %get3A_97 = arith.constant 64 : index
        %get3A_98 = tpu.vector_load %arg11[%get3A_96, %get3A_97] {strides = array<i32>} : memref<128x128xf32, #tpu.memory_space<vmem>>, vector<1x16xf32>,
        %get3A_99 = vector.shape_cast %get3A_98 : vector<1x16xf32> to vector<16xf32>
        %sub3A_100 = arith.subf %get3A_95, %get3A_99 : vector<16xf32>
        %swap3A_101 = arith.index_cast %scan3A_37 : i32 to index
        %swap3A_102 = arith.constant 64 : index
        %swap3A_103 = tpu.vector_load %arg10[%swap3A_101, %swap3A_102] {strides = array<i32>} : memref<128x128xf32, #tpu.memory_space<vmem>>, vector<1x16xf32>,
        %swap3A_104 = vector.shape_cast %swap3A_103 : vector<1x16xf32> to vector<16xf32>
        %swap3A_105 = vector.shape_cast %sub3A_100 : vector<16xf32> to vector<1x16xf32>
        tpu.vector_store %arg10[%swap3A_101, %swap3A_102], %swap3A_105 {strides = array<i32>} : memref<128x128xf32, #tpu.memory_space<vmem>>, vector<1x16xf32>,
        %get3A_106 = arith.index_cast %scan3A_37 : i32 to index
        %get3A_107 = arith.constant 80 : index
        %get3A_108 = tpu.vector_load %arg10[%get3A_106, %get3A_107] {strides = array<i32>} : memref<128x128xf32, #tpu.memory_space<vmem>>, vector<1x16xf32>,
        %get3A_109 = vector.shape_cast %get3A_108 : vector<1x16xf32> to vector<16xf32>
        %get3A_110 = arith.index_cast %scan3A_37 : i32 to index
        %get3A_111 = arith.constant 80 : index
        %get3A_112 = tpu.vector_load %arg11[%get3A_110, %get3A_111] {strides = array<i32>} : memref<128x128xf32, #tpu.memory_space<vmem>>, vector<1x16xf32>,
        %get3A_113 = vector.shape_cast %get3A_112 : vector<1x16xf32> to vector<16xf32>
        %sub3A_114 = arith.subf %get3A_109, %get3A_113 : vector<16xf32>
        %swap3A_115 = arith.index_cast %scan3A_37 : i32 to index
        %swap3A_116 = arith.constant 80 : index
        %swap3A_117 = tpu.vector_load %arg10[%swap3A_115, %swap3A_116] {strides = array<i32>} : memref<128x128xf32, #tpu.memory_space<vmem>>, vector<1x16xf32>,
        %swap3A_118 = vector.shape_cast %swap3A_117 : vector<1x16xf32> to vector<16xf32>
        %swap3A_119 = vector.shape_cast %sub3A_114 : vector<16xf32> to vector<1x16xf32>
        tpu.vector_store %arg10[%swap3A_115, %swap3A_116], %swap3A_119 {strides = array<i32>} : memref<128x128xf32, #tpu.memory_space<vmem>>, vector<1x16xf32>,
        %get3A_120 = arith.index_cast %scan3A_37 : i32 to index
        %get3A_121 = arith.constant 96 : index
        %get3A_122 = tpu.vector_load %arg10[%get3A_120, %get3A_121] {strides = array<i32>} : memref<128x128xf32, #tpu.memory_space<vmem>>, vector<1x16xf32>,
        %get3A_123 = vector.shape_cast %get3A_122 : vector<1x16xf32> to vector<16xf32>
        %get3A_124 = arith.index_cast %scan3A_37 : i32 to index
        %get3A_125 = arith.constant 96 : index
        %get3A_126 = tpu.vector_load %arg11[%get3A_124, %get3A_125] {strides = array<i32>} : memref<128x128xf32, #tpu.memory_space<vmem>>, vector<1x16xf32>,
        %get3A_127 = vector.shape_cast %get3A_126 : vector<1x16xf32> to vector<16xf32>
        %sub3A_128 = arith.subf %get3A_123, %get3A_127 : vector<16xf32>
        %swap3A_129 = arith.index_cast %scan3A_37 : i32 to index
        %swap3A_130 = arith.constant 96 : index
        %swap3A_131 = tpu.vector_load %arg10[%swap3A_129, %swap3A_130] {strides = array<i32>} : memref<128x128xf32, #tpu.memory_space<vmem>>, vector<1x16xf32>,
        %swap3A_132 = vector.shape_cast %swap3A_131 : vector<1x16xf32> to vector<16xf32>
        %swap3A_133 = vector.shape_cast %sub3A_128 : vector<16xf32> to vector<1x16xf32>
        tpu.vector_store %arg10[%swap3A_129, %swap3A_130], %swap3A_133 {strides = array<i32>} : memref<128x128xf32, #tpu.memory_space<vmem>>, vector<1x16xf32>,
        %get3A_134 = arith.index_cast %scan3A_37 : i32 to index
        %get3A_135 = arith.constant 112 : index
        %get3A_136 = tpu.vector_load %arg10[%get3A_134, %get3A_135] {strides = array<i32>} : memref<128x128xf32, #tpu.memory_space<vmem>>, vector<1x16xf32>,
        %get3A_137 = vector.shape_cast %get3A_136 : vector<1x16xf32> to vector<16xf32>
        %get3A_138 = arith.index_cast %scan3A_37 : i32 to index
        %get3A_139 = arith.constant 112 : index
        %get3A_140 = tpu.vector_load %arg11[%get3A_138, %get3A_139] {strides = array<i32>} : memref<128x128xf32, #tpu.memory_space<vmem>>, vector<1x16xf32>,
        %get3A_141 = vector.shape_cast %get3A_140 : vector<1x16xf32> to vector<16xf32>
        %sub3A_142 = arith.subf %get3A_137, %get3A_141 : vector<16xf32>
        %swap3A_143 = arith.index_cast %scan3A_37 : i32 to index
        %swap3A_144 = arith.constant 112 : index
        %swap3A_145 = tpu.vector_load %arg10[%swap3A_143, %swap3A_144] {strides = array<i32>} : memref<128x128xf32, #tpu.memory_space<vmem>>, vector<1x16xf32>,
        %swap3A_146 = vector.shape_cast %swap3A_145 : vector<1x16xf32> to vector<16xf32>
        %swap3A_147 = vector.shape_cast %sub3A_142 : vector<16xf32> to vector<1x16xf32>
        tpu.vector_store %arg10[%swap3A_143, %swap3A_144], %swap3A_147 {strides = array<i32>} : memref<128x128xf32, #tpu.memory_space<vmem>>, vector<1x16xf32>,
        %scan3A_148 = arith.constant 0 : i32
        scf.yield %scan3A_148 : i32
      }
      %scan3A_35 = arith.constant 128 : i32
      "tpu.region"() ({
        %run_scoped3A = tpu.sem_alloc : memref<!tpu.dma_semaphore, #tpu.memory_space<semaphore_mem>>
        %dma_start3A = arith.constant 0 : i32
        %dma_start3A_37 = tpu.memref_slice %arg7[%mul3A_28, %dma_start3A] : memref<320000x128xf32, #tpu.memory_space<hbm>> -> memref<128x128xf32, #tpu.memory_space<hbm>>
        %dma_start3A_38 = arith.constant 0 : i32
        %dma_start3A_39 = tpu.memref_slice %arg7[%mul3A_28, %dma_start3A_38] : memref<320000x128xf32, #tpu.memory_space<hbm>> -> memref<128x128xf32, #tpu.memory_space<hbm>>
        tpu.enqueue_dma source(%arg10 : memref<128x128xf32, #tpu.memory_space<vmem>>) target(%dma_start3A_39 : memref<128x128xf32, #tpu.memory_space<hbm>>) target_semaphore(%run_scoped3A : memref<!tpu.dma_semaphore, #tpu.memory_space<semaphore_mem>>)
        %dma_wait3A = arith.constant 0 : i32
        %dma_wait3A_40 = tpu.memref_slice %arg7[%mul3A_28, %dma_wait3A] : memref<320000x128xf32, #tpu.memory_space<hbm>> -> memref<128x128xf32, #tpu.memory_space<hbm>>
        %dma_wait3A_41 = arith.constant 0 : i32
        %dma_wait3A_42 = tpu.memref_slice %arg7[%mul3A_28, %dma_wait3A_41] : memref<320000x128xf32, #tpu.memory_space<hbm>> -> memref<128x128xf32, #tpu.memory_space<hbm>>
        tpu.wait_dma2 semaphore(%run_scoped3A : memref<!tpu.dma_semaphore, #tpu.memory_space<semaphore_mem>>) src(%arg10 : memref<128x128xf32, #tpu.memory_space<vmem>>) dst(%dma_wait3A_42 : memref<128x128xf32, #tpu.memory_space<hbm>>)
        tpu.yield
      }) : () -> ()
      %while3A_36 = arith.constant 0 : i32
      scf.yield %while3A_36 : i32
    }
    %while3A_20 = arith.constant 1 : i32
    %while3A_21 = scf.for %while3A_22 = %while3A_17 to %while3A_13 step %while3A_20 iter_args(%while3A_23 = %while3A_19) -> (i32)  : i32 {
      %mul3A_24 = arith.constant 32 : i32
      %mul3A_25 = arith.muli %while3A_22, %mul3A_24 : i32
      %add3A_26 = arith.addi %add3A, %mul3A_25 : i32
      %mul3A_27 = arith.constant 128 : i32
      %mul3A_28 = arith.muli %add3A_26, %mul3A_27 : i32
      "tpu.region"() ({
        %run_scoped3A = tpu.sem_alloc : memref<!tpu.dma_semaphore, #tpu.memory_space<semaphore_mem>>
        %dma_start3A = tpu.memref_slice %arg5[%mul3A_28] : memref<320000xi32, #tpu.memory_space<hbm>> -> memref<128xi32, #tpu.memory_space<hbm>>
        %dma_start3A_37 = tpu.memref_slice %arg5[%mul3A_28] : memref<320000xi32, #tpu.memory_space<hbm>> -> memref<128xi32, #tpu.memory_space<hbm>>
        tpu.enqueue_dma source(%dma_start3A_37 : memref<128xi32, #tpu.memory_space<hbm>>) target(%arg12 : memref<128xi32, #tpu.memory_space<vmem>>) target_semaphore(%run_scoped3A : memref<!tpu.dma_semaphore, #tpu.memory_space<semaphore_mem>>)
        %dma_wait3A = tpu.memref_slice %arg5[%mul3A_28] : memref<320000xi32, #tpu.memory_space<hbm>> -> memref<128xi32, #tpu.memory_space<hbm>>
        %dma_wait3A_38 = tpu.memref_slice %arg5[%mul3A_28] : memref<320000xi32, #tpu.memory_space<hbm>> -> memref<128xi32, #tpu.memory_space<hbm>>
        tpu.wait_dma2 semaphore(%run_scoped3A : memref<!tpu.dma_semaphore, #tpu.memory_space<semaphore_mem>>) src(%dma_wait3A_38 : memref<128xi32, #tpu.memory_space<hbm>>) dst(%arg12 : memref<128xi32, #tpu.memory_space<vmem>>)
        tpu.yield
      }) : () -> ()
      "tpu.region"() ({
        %run_scoped3A = tpu.sem_alloc : memref<!tpu.dma_semaphore, #tpu.memory_space<semaphore_mem>>
        %dma_start3A = tpu.memref_slice %arg6[%mul3A_28] : memref<320000xi32, #tpu.memory_space<hbm>> -> memref<128xi32, #tpu.memory_space<hbm>>
        %dma_start3A_37 = tpu.memref_slice %arg6[%mul3A_28] : memref<320000xi32, #tpu.memory_space<hbm>> -> memref<128xi32, #tpu.memory_space<hbm>>
        tpu.enqueue_dma source(%dma_start3A_37 : memref<128xi32, #tpu.memory_space<hbm>>) target(%arg13 : memref<128xi32, #tpu.memory_space<vmem>>) target_semaphore(%run_scoped3A : memref<!tpu.dma_semaphore, #tpu.memory_space<semaphore_mem>>)
        %dma_wait3A = tpu.memref_slice %arg6[%mul3A_28] : memref<320000xi32, #tpu.memory_space<hbm>> -> memref<128xi32, #tpu.memory_space<hbm>>
        %dma_wait3A_38 = tpu.memref_slice %arg6[%mul3A_28] : memref<320000xi32, #tpu.memory_space<hbm>> -> memref<128xi32, #tpu.memory_space<hbm>>
        tpu.wait_dma2 semaphore(%run_scoped3A : memref<!tpu.dma_semaphore, #tpu.memory_space<semaphore_mem>>) src(%dma_wait3A_38 : memref<128xi32, #tpu.memory_space<hbm>>) dst(%arg13 : memref<128xi32, #tpu.memory_space<vmem>>)
        tpu.yield
      }) : () -> ()
      "tpu.region"() ({
        %run_scoped3A = tpu.sem_alloc : memref<!tpu.dma_semaphore, #tpu.memory_space<semaphore_mem>>
        %dma_start3A = arith.constant 0 : i32
        %dma_start3A_37 = arith.constant 0 : i32
        %dma_start3A_38 = tpu.memref_slice %arg8[%dma_start3A, %dma_start3A_37] : memref<10240x128xf32, #tpu.memory_space<vmem_shared>> -> memref<10240x128xf32, #tpu.memory_space<vmem_shared>>
        tpu.enqueue_indirect_dma source(%dma_start3A_38 : memref<10240x128xf32, #tpu.memory_space<vmem_shared>>) target(%arg10 : memref<128x128xf32, #tpu.memory_space<vmem>>) offsets(%arg12 : memref<128xi32, #tpu.memory_space<vmem>>) semaphore(%run_scoped3A : memref<!tpu.dma_semaphore, #tpu.memory_space<semaphore_mem>>)
        %dma_wait3A = arith.constant 0 : i32
        %dma_wait3A_39 = arith.constant 0 : i32
        %dma_wait3A_40 = tpu.memref_slice %arg8[%dma_wait3A, %dma_wait3A_39] : memref<10240x128xf32, #tpu.memory_space<vmem_shared>> -> memref<10240x128xf32, #tpu.memory_space<vmem_shared>>
        tpu.wait_indirect_dma semaphore(%run_scoped3A : memref<!tpu.dma_semaphore, #tpu.memory_space<semaphore_mem>>) src(%dma_wait3A_40 : memref<10240x128xf32, #tpu.memory_space<vmem_shared>>) dst(%arg10 : memref<128x128xf32, #tpu.memory_space<vmem>>)
        tpu.yield
      }) : () -> ()
      "tpu.region"() ({
        %run_scoped3A = tpu.sem_alloc : memref<!tpu.dma_semaphore, #tpu.memory_space<semaphore_mem>>
        %dma_start3A = arith.constant 0 : i32
        %dma_start3A_37 = arith.constant 0 : i32
        %dma_start3A_38 = tpu.memref_slice %arg2[%dma_start3A, %dma_start3A_37] : memref<320000x128xf32, #tpu.memory_space<hbm>> -> memref<320000x128xf32, #tpu.memory_space<hbm>>
        tpu.enqueue_indirect_dma source(%dma_start3A_38 : memref<320000x128xf32, #tpu.memory_space<hbm>>) target(%arg11 : memref<128x128xf32, #tpu.memory_space<vmem>>) offsets(%arg13 : memref<128xi32, #tpu.memory_space<vmem>>) semaphore(%run_scoped3A : memref<!tpu.dma_semaphore, #tpu.memory_space<semaphore_mem>>)
        %dma_wait3A = arith.constant 0 : i32
        %dma_wait3A_39 = arith.constant 0 : i32
        %dma_wait3A_40 = tpu.memref_slice %arg2[%dma_wait3A, %dma_wait3A_39] : memref<320000x128xf32, #tpu.memory_space<hbm>> -> memref<320000x128xf32, #tpu.memory_space<hbm>>
        tpu.wait_indirect_dma semaphore(%run_scoped3A : memref<!tpu.dma_semaphore, #tpu.memory_space<semaphore_mem>>) src(%dma_wait3A_40 : memref<320000x128xf32, #tpu.memory_space<hbm>>) dst(%arg11 : memref<128x128xf32, #tpu.memory_space<vmem>>)
        tpu.yield
      }) : () -> ()
      %scan3A_29 = arith.constant 0 : i32
      %scan3A_30 = arith.constant 0 : i32
      %scan3A_31 = arith.constant 128 : i32
      %scan3A_32 = arith.addi %scan3A_30, %scan3A_31 : i32
      %scan3A_33 = arith.constant 1 : i32
      %scan3A_34 = scf.for %scan3A_37 = %scan3A_30 to %scan3A_32 step %scan3A_33 iter_args(%scan3A_38 = %scan3A_29) -> (i32)  : i32 {
        %get3A = arith.index_cast %scan3A_37 : i32 to index
        %get3A_39 = arith.constant 0 : index
        %get3A_40 = tpu.vector_load %arg10[%get3A, %get3A_39] {strides = array<i32>} : memref<128x128xf32, #tpu.memory_space<vmem>>, vector<1x16xf32>,
        %get3A_41 = vector.shape_cast %get3A_40 : vector<1x16xf32> to vector<16xf32>
        %get3A_42 = arith.index_cast %scan3A_37 : i32 to index
        %get3A_43 = arith.constant 0 : index
        %get3A_44 = tpu.vector_load %arg11[%get3A_42, %get3A_43] {strides = array<i32>} : memref<128x128xf32, #tpu.memory_space<vmem>>, vector<1x16xf32>,
        %get3A_45 = vector.shape_cast %get3A_44 : vector<1x16xf32> to vector<16xf32>
        %sub3A = arith.subf %get3A_41, %get3A_45 : vector<16xf32>
        %swap3A = arith.index_cast %scan3A_37 : i32 to index
        %swap3A_46 = arith.constant 0 : index
        %swap3A_47 = tpu.vector_load %arg10[%swap3A, %swap3A_46] {strides = array<i32>} : memref<128x128xf32, #tpu.memory_space<vmem>>, vector<1x16xf32>,
        %swap3A_48 = vector.shape_cast %swap3A_47 : vector<1x16xf32> to vector<16xf32>
        %swap3A_49 = vector.shape_cast %sub3A : vector<16xf32> to vector<1x16xf32>
        tpu.vector_store %arg10[%swap3A, %swap3A_46], %swap3A_49 {strides = array<i32>} : memref<128x128xf32, #tpu.memory_space<vmem>>, vector<1x16xf32>,
        %get3A_50 = arith.index_cast %scan3A_37 : i32 to index
        %get3A_51 = arith.constant 16 : index
        %get3A_52 = tpu.vector_load %arg10[%get3A_50, %get3A_51] {strides = array<i32>} : memref<128x128xf32, #tpu.memory_space<vmem>>, vector<1x16xf32>,
        %get3A_53 = vector.shape_cast %get3A_52 : vector<1x16xf32> to vector<16xf32>
        %get3A_54 = arith.index_cast %scan3A_37 : i32 to index
        %get3A_55 = arith.constant 16 : index
        %get3A_56 = tpu.vector_load %arg11[%get3A_54, %get3A_55] {strides = array<i32>} : memref<128x128xf32, #tpu.memory_space<vmem>>, vector<1x16xf32>,
        %get3A_57 = vector.shape_cast %get3A_56 : vector<1x16xf32> to vector<16xf32>
        %sub3A_58 = arith.subf %get3A_53, %get3A_57 : vector<16xf32>
        %swap3A_59 = arith.index_cast %scan3A_37 : i32 to index
        %swap3A_60 = arith.constant 16 : index
        %swap3A_61 = tpu.vector_load %arg10[%swap3A_59, %swap3A_60] {strides = array<i32>} : memref<128x128xf32, #tpu.memory_space<vmem>>, vector<1x16xf32>,
        %swap3A_62 = vector.shape_cast %swap3A_61 : vector<1x16xf32> to vector<16xf32>
        %swap3A_63 = vector.shape_cast %sub3A_58 : vector<16xf32> to vector<1x16xf32>
        tpu.vector_store %arg10[%swap3A_59, %swap3A_60], %swap3A_63 {strides = array<i32>} : memref<128x128xf32, #tpu.memory_space<vmem>>, vector<1x16xf32>,
        %get3A_64 = arith.index_cast %scan3A_37 : i32 to index
        %get3A_65 = arith.constant 32 : index
        %get3A_66 = tpu.vector_load %arg10[%get3A_64, %get3A_65] {strides = array<i32>} : memref<128x128xf32, #tpu.memory_space<vmem>>, vector<1x16xf32>,
        %get3A_67 = vector.shape_cast %get3A_66 : vector<1x16xf32> to vector<16xf32>
        %get3A_68 = arith.index_cast %scan3A_37 : i32 to index
        %get3A_69 = arith.constant 32 : index
        %get3A_70 = tpu.vector_load %arg11[%get3A_68, %get3A_69] {strides = array<i32>} : memref<128x128xf32, #tpu.memory_space<vmem>>, vector<1x16xf32>,
        %get3A_71 = vector.shape_cast %get3A_70 : vector<1x16xf32> to vector<16xf32>
        %sub3A_72 = arith.subf %get3A_67, %get3A_71 : vector<16xf32>
        %swap3A_73 = arith.index_cast %scan3A_37 : i32 to index
        %swap3A_74 = arith.constant 32 : index
        %swap3A_75 = tpu.vector_load %arg10[%swap3A_73, %swap3A_74] {strides = array<i32>} : memref<128x128xf32, #tpu.memory_space<vmem>>, vector<1x16xf32>,
        %swap3A_76 = vector.shape_cast %swap3A_75 : vector<1x16xf32> to vector<16xf32>
        %swap3A_77 = vector.shape_cast %sub3A_72 : vector<16xf32> to vector<1x16xf32>
        tpu.vector_store %arg10[%swap3A_73, %swap3A_74], %swap3A_77 {strides = array<i32>} : memref<128x128xf32, #tpu.memory_space<vmem>>, vector<1x16xf32>,
        %get3A_78 = arith.index_cast %scan3A_37 : i32 to index
        %get3A_79 = arith.constant 48 : index
        %get3A_80 = tpu.vector_load %arg10[%get3A_78, %get3A_79] {strides = array<i32>} : memref<128x128xf32, #tpu.memory_space<vmem>>, vector<1x16xf32>,
        %get3A_81 = vector.shape_cast %get3A_80 : vector<1x16xf32> to vector<16xf32>
        %get3A_82 = arith.index_cast %scan3A_37 : i32 to index
        %get3A_83 = arith.constant 48 : index
        %get3A_84 = tpu.vector_load %arg11[%get3A_82, %get3A_83] {strides = array<i32>} : memref<128x128xf32, #tpu.memory_space<vmem>>, vector<1x16xf32>,
        %get3A_85 = vector.shape_cast %get3A_84 : vector<1x16xf32> to vector<16xf32>
        %sub3A_86 = arith.subf %get3A_81, %get3A_85 : vector<16xf32>
        %swap3A_87 = arith.index_cast %scan3A_37 : i32 to index
        %swap3A_88 = arith.constant 48 : index
        %swap3A_89 = tpu.vector_load %arg10[%swap3A_87, %swap3A_88] {strides = array<i32>} : memref<128x128xf32, #tpu.memory_space<vmem>>, vector<1x16xf32>,
        %swap3A_90 = vector.shape_cast %swap3A_89 : vector<1x16xf32> to vector<16xf32>
        %swap3A_91 = vector.shape_cast %sub3A_86 : vector<16xf32> to vector<1x16xf32>
        tpu.vector_store %arg10[%swap3A_87, %swap3A_88], %swap3A_91 {strides = array<i32>} : memref<128x128xf32, #tpu.memory_space<vmem>>, vector<1x16xf32>,
        %get3A_92 = arith.index_cast %scan3A_37 : i32 to index
        %get3A_93 = arith.constant 64 : index
        %get3A_94 = tpu.vector_load %arg10[%get3A_92, %get3A_93] {strides = array<i32>} : memref<128x128xf32, #tpu.memory_space<vmem>>, vector<1x16xf32>,
        %get3A_95 = vector.shape_cast %get3A_94 : vector<1x16xf32> to vector<16xf32>
        %get3A_96 = arith.index_cast %scan3A_37 : i32 to index
        %get3A_97 = arith.constant 64 : index
        %get3A_98 = tpu.vector_load %arg11[%get3A_96, %get3A_97] {strides = array<i32>} : memref<128x128xf32, #tpu.memory_space<vmem>>, vector<1x16xf32>,
        %get3A_99 = vector.shape_cast %get3A_98 : vector<1x16xf32> to vector<16xf32>
        %sub3A_100 = arith.subf %get3A_95, %get3A_99 : vector<16xf32>
        %swap3A_101 = arith.index_cast %scan3A_37 : i32 to index
        %swap3A_102 = arith.constant 64 : index
        %swap3A_103 = tpu.vector_load %arg10[%swap3A_101, %swap3A_102] {strides = array<i32>} : memref<128x128xf32, #tpu.memory_space<vmem>>, vector<1x16xf32>,
        %swap3A_104 = vector.shape_cast %swap3A_103 : vector<1x16xf32> to vector<16xf32>
        %swap3A_105 = vector.shape_cast %sub3A_100 : vector<16xf32> to vector<1x16xf32>
        tpu.vector_store %arg10[%swap3A_101, %swap3A_102], %swap3A_105 {strides = array<i32>} : memref<128x128xf32, #tpu.memory_space<vmem>>, vector<1x16xf32>,
        %get3A_106 = arith.index_cast %scan3A_37 : i32 to index
        %get3A_107 = arith.constant 80 : index
        %get3A_108 = tpu.vector_load %arg10[%get3A_106, %get3A_107] {strides = array<i32>} : memref<128x128xf32, #tpu.memory_space<vmem>>, vector<1x16xf32>,
        %get3A_109 = vector.shape_cast %get3A_108 : vector<1x16xf32> to vector<16xf32>
        %get3A_110 = arith.index_cast %scan3A_37 : i32 to index
        %get3A_111 = arith.constant 80 : index
        %get3A_112 = tpu.vector_load %arg11[%get3A_110, %get3A_111] {strides = array<i32>} : memref<128x128xf32, #tpu.memory_space<vmem>>, vector<1x16xf32>,
        %get3A_113 = vector.shape_cast %get3A_112 : vector<1x16xf32> to vector<16xf32>
        %sub3A_114 = arith.subf %get3A_109, %get3A_113 : vector<16xf32>
        %swap3A_115 = arith.index_cast %scan3A_37 : i32 to index
        %swap3A_116 = arith.constant 80 : index
        %swap3A_117 = tpu.vector_load %arg10[%swap3A_115, %swap3A_116] {strides = array<i32>} : memref<128x128xf32, #tpu.memory_space<vmem>>, vector<1x16xf32>,
        %swap3A_118 = vector.shape_cast %swap3A_117 : vector<1x16xf32> to vector<16xf32>
        %swap3A_119 = vector.shape_cast %sub3A_114 : vector<16xf32> to vector<1x16xf32>
        tpu.vector_store %arg10[%swap3A_115, %swap3A_116], %swap3A_119 {strides = array<i32>} : memref<128x128xf32, #tpu.memory_space<vmem>>, vector<1x16xf32>,
        %get3A_120 = arith.index_cast %scan3A_37 : i32 to index
        %get3A_121 = arith.constant 96 : index
        %get3A_122 = tpu.vector_load %arg10[%get3A_120, %get3A_121] {strides = array<i32>} : memref<128x128xf32, #tpu.memory_space<vmem>>, vector<1x16xf32>,
        %get3A_123 = vector.shape_cast %get3A_122 : vector<1x16xf32> to vector<16xf32>
        %get3A_124 = arith.index_cast %scan3A_37 : i32 to index
        %get3A_125 = arith.constant 96 : index
        %get3A_126 = tpu.vector_load %arg11[%get3A_124, %get3A_125] {strides = array<i32>} : memref<128x128xf32, #tpu.memory_space<vmem>>, vector<1x16xf32>,
        %get3A_127 = vector.shape_cast %get3A_126 : vector<1x16xf32> to vector<16xf32>
        %sub3A_128 = arith.subf %get3A_123, %get3A_127 : vector<16xf32>
        %swap3A_129 = arith.index_cast %scan3A_37 : i32 to index
        %swap3A_130 = arith.constant 96 : index
        %swap3A_131 = tpu.vector_load %arg10[%swap3A_129, %swap3A_130] {strides = array<i32>} : memref<128x128xf32, #tpu.memory_space<vmem>>, vector<1x16xf32>,
        %swap3A_132 = vector.shape_cast %swap3A_131 : vector<1x16xf32> to vector<16xf32>
        %swap3A_133 = vector.shape_cast %sub3A_128 : vector<16xf32> to vector<1x16xf32>
        tpu.vector_store %arg10[%swap3A_129, %swap3A_130], %swap3A_133 {strides = array<i32>} : memref<128x128xf32, #tpu.memory_space<vmem>>, vector<1x16xf32>,
        %get3A_134 = arith.index_cast %scan3A_37 : i32 to index
        %get3A_135 = arith.constant 112 : index
        %get3A_136 = tpu.vector_load %arg10[%get3A_134, %get3A_135] {strides = array<i32>} : memref<128x128xf32, #tpu.memory_space<vmem>>, vector<1x16xf32>,
        %get3A_137 = vector.shape_cast %get3A_136 : vector<1x16xf32> to vector<16xf32>
        %get3A_138 = arith.index_cast %scan3A_37 : i32 to index
        %get3A_139 = arith.constant 112 : index
        %get3A_140 = tpu.vector_load %arg11[%get3A_138, %get3A_139] {strides = array<i32>} : memref<128x128xf32, #tpu.memory_space<vmem>>, vector<1x16xf32>,
        %get3A_141 = vector.shape_cast %get3A_140 : vector<1x16xf32> to vector<16xf32>
        %sub3A_142 = arith.subf %get3A_137, %get3A_141 : vector<16xf32>
        %swap3A_143 = arith.index_cast %scan3A_37 : i32 to index
        %swap3A_144 = arith.constant 112 : index
        %swap3A_145 = tpu.vector_load %arg10[%swap3A_143, %swap3A_144] {strides = array<i32>} : memref<128x128xf32, #tpu.memory_space<vmem>>, vector<1x16xf32>,
        %swap3A_146 = vector.shape_cast %swap3A_145 : vector<1x16xf32> to vector<16xf32>
        %swap3A_147 = vector.shape_cast %sub3A_142 : vector<16xf32> to vector<1x16xf32>
        tpu.vector_store %arg10[%swap3A_143, %swap3A_144], %swap3A_147 {strides = array<i32>} : memref<128x128xf32, #tpu.memory_space<vmem>>, vector<1x16xf32>,
        %scan3A_148 = arith.constant 0 : i32
        scf.yield %scan3A_148 : i32
      }
      %scan3A_35 = arith.constant 128 : i32
      "tpu.region"() ({
        %run_scoped3A = tpu.sem_alloc : memref<!tpu.dma_semaphore, #tpu.memory_space<semaphore_mem>>
        %dma_start3A = arith.constant 0 : i32
        %dma_start3A_37 = tpu.memref_slice %arg7[%mul3A_28, %dma_start3A] : memref<320000x128xf32, #tpu.memory_space<hbm>> -> memref<128x128xf32, #tpu.memory_space<hbm>>
        %dma_start3A_38 = arith.constant 0 : i32
        %dma_start3A_39 = tpu.memref_slice %arg7[%mul3A_28, %dma_start3A_38] : memref<320000x128xf32, #tpu.memory_space<hbm>> -> memref<128x128xf32, #tpu.memory_space<hbm>>
        tpu.enqueue_dma source(%arg10 : memref<128x128xf32, #tpu.memory_space<vmem>>) target(%dma_start3A_39 : memref<128x128xf32, #tpu.memory_space<hbm>>) target_semaphore(%run_scoped3A : memref<!tpu.dma_semaphore, #tpu.memory_space<semaphore_mem>>)
        %dma_wait3A = arith.constant 0 : i32
        %dma_wait3A_40 = tpu.memref_slice %arg7[%mul3A_28, %dma_wait3A] : memref<320000x128xf32, #tpu.memory_space<hbm>> -> memref<128x128xf32, #tpu.memory_space<hbm>>
        %dma_wait3A_41 = arith.constant 0 : i32
        %dma_wait3A_42 = tpu.memref_slice %arg7[%mul3A_28, %dma_wait3A_41] : memref<320000x128xf32, #tpu.memory_space<hbm>> -> memref<128x128xf32, #tpu.memory_space<hbm>>
        tpu.wait_dma2 semaphore(%run_scoped3A : memref<!tpu.dma_semaphore, #tpu.memory_space<semaphore_mem>>) src(%arg10 : memref<128x128xf32, #tpu.memory_space<vmem>>) dst(%dma_wait3A_42 : memref<128x128xf32, #tpu.memory_space<hbm>>)
        tpu.yield
      }) : () -> ()
      %while3A_36 = arith.constant 0 : i32
      scf.yield %while3A_36 : i32
    }
    return
  }
}

module attributes {stable_mosaic.version = 14 : i64} {
  func.func @_matmul_body(%arg0: i32, %arg1: memref<1280x128xf32, #tpu.memory_space<vmem>>, %arg2: memref<128x128xf32, #tpu.memory_space<vmem>>, %arg3: memref<1280x128xf32, #tpu.memory_space<vmem>>) attributes {dimension_semantics = [#tpu.dimension_semantics<arbitrary>], iteration_bounds = array<i64: 250>, scalar_prefetch = 0 : i64, scratch_operands = 0 : i64, tpu.core_type = #tpu.core_type<tc>, window_params = [{transform_indices = @transform_0, window_bounds = array<i64: 1280, 128>}, {pipeline_mode = #tpu.pipeline_mode<synchronous>, transform_indices = @transform_1, window_bounds = array<i64: 128, 128>}, {transform_indices = @transform_2, window_bounds = array<i64: 1280, 128>}]} {
    %get3A = arith.constant 0 : index
    %get3A_0 = arith.constant 0 : index
    %get3A_1 = vector.load %arg1[%get3A, %get3A_0] : memref<1280x128xf32, #tpu.memory_space<vmem>>, vector<1280x128xf32>
    %max3A = arith.constant 0.000000e+00 : f32
    %max3A_2 = vector.broadcast %max3A : f32 to vector<1280x128xf32>
    %max3A_3 = arith.maximumf %get3A_1, %max3A_2 : vector<1280x128xf32>
    %get3A_4 = arith.constant 0 : index
    %get3A_5 = arith.constant 0 : index
    %get3A_6 = vector.load %arg2[%get3A_4, %get3A_5] : memref<128x128xf32, #tpu.memory_space<vmem>>, vector<128x128xf32>
    %dot_general3A = arith.constant dense<0.000000e+00> : vector<1280x128xf32>
    %dot_general3A_7 = tpu.matmul %max3A_3, %get3A_6, %dot_general3A {dimension_numbers = #tpu.dot_dimension_numbers<[1], [1], [0], [0], [0, 0, 1, 0], [], []>, transpose_lhs_hint = false} : vector<1280x128xf32>, vector<128x128xf32>, vector<1280x128xf32> -> vector<1280x128xf32>
    %swap3A = arith.constant 0 : index
    %swap3A_8 = arith.constant 0 : index
    %swap3A_9 = vector.load %arg3[%swap3A, %swap3A_8] : memref<1280x128xf32, #tpu.memory_space<vmem>>, vector<1280x128xf32>
    tpu.vector_store %arg3[%swap3A, %swap3A_8], %dot_general3A_7 {strides = array<i32>} : memref<1280x128xf32, #tpu.memory_space<vmem>>, vector<1280x128xf32>,
    return
  }
  func.func @transform_0(%arg0: i32) -> (i32, i32) {
    %c0_i32 = arith.constant 0 : i32
    %c0_i32_0 = arith.constant 0 : i32
    return %arg0, %c0_i32 : i32, i32
  }
  func.func @transform_1(%arg0: i32) -> (i32, i32) {
    %c0_i32 = arith.constant 0 : i32
    %c0_i32_0 = arith.constant 0 : i32
    %c0_i32_1 = arith.constant 0 : i32
    return %c0_i32, %c0_i32_0 : i32, i32
  }
  func.func @transform_2(%arg0: i32) -> (i32, i32) {
    %c0_i32 = arith.constant 0 : i32
    %c0_i32_0 = arith.constant 0 : i32
    return %arg0, %c0_i32 : i32, i32
  }
}

</mosaic_0001>

<sc_bundles>
// kernel: kernel.5.cloned.1.call-start
scs
__scs_entry_jumppad:
0x0: {  	(pc) =	sbr.rel $0x88, $3  }
0x1: {  	(tag) =	ssettag $0x0;
	lr =	simm.s32 $0x1  }
0x2: {  	[smem:$0x3F9C] =	sst lr;
	_ =	strace $0xD0000000  }
0x3: {  	_ = 	snop  }
0x4: {  	_ = 	snop  }
0x5: {  	_ = 	snop  }
0x6: {  	_ = 	snop  }
0x7: {  	_ = 	snop  }
__scs_overlays_trampoline_lowered:
0x8: {  	[smem:$0x3FAB] =	sst s0  }
0x9: {  	[smem:$0x3FAC] =	sst s1  }
0xa: {  	[smem:$0x3FAD] =	sst s2  }
0xb: {  	[smem:$0x3FAE] =	sst s3  }
0xc: {  	[smem:$0x3FAF] =	sst s4  }
0xd: {  	[smem:$0x3FB0] =	sst s5  }
0xe: {  	[smem:$0x3FB1] =	sst s6  }
0xf: {  	[smem:$0x3FB2] =	sst s7  }
0x10: {  	[smem:$0x3FB3] =	sst s8  }
0x11: {  	[smem:$0x3FB4] =	sst s9;
	s0 =	simm.s32 @!p0 $0x0  }
0x12: {  	s1 =	sld [smem:$0x3F9A];
	s0 =	simm.s32 @p0 $0x1  }
0x13: {  	[smem:$0x3FB5] =	sst s0;
	s0 =	simm.s32 @!p1 $0x0  }
0x14: {  	s2 =	sld [smem:$0x3F99];
	s0 =	simm.s32 @p1 $0x1  }
0x15: {  	[smem:$0x3FB6] =	sst s0;
	s0 =	simm.s32 @!p2 $0x0  }
0x16: {  	s3 =	sld [smem:$0x3FDB];
	s0 =	simm.s32 @p2 $0x1  }
0x17: {  	s4 =	simm.s32 $0x1BF5;
	[smem:$0x3FB8] =	sst s0  }
0x18: {  	s0 =	sld [smem:$0x3F9B];
	_ =	swait.ge [sflag:s4], $0x0  }
0x19: {  	s7 =	sld [smem:$0x3F9C]  }
0x1a: {  	s8 =	sadd.s32 $0xFFFFE003, lr  }
0x1b: {  	s9 =	sadd.s32 $0xFFFFFEF7, lr;
	s5 =	simm.s32 $0xFFFFFFFF;
	p2 =	slt.u32 s8, $0xFFFFF086  }
0x1c: {  	p1 =	slt.u32 s9, $0xF7A;
	s5 =	simm.s32 @!p2 $0x0  }
0x1d: {  	s5 =	simm.s32 @p1 $0x1;
	p0 =	seq.s32 s7, s2  }
0x1e: {  	s7 =	smul.u32 @!p0 $0xF7A, s2;
	p2 =	seq.s32 @!p0 s5, $0x0  }
0x1f: {  	s9 =	smul.u32 $0xF7A, s1;
	s8 =	simm.s32 @!p0 $0x1BF5;
	p2 =	por !p2, p0  }
0x20: {  	[sflag:s8] =	ssyncset.s32 @!p0 $0xFFFFF086;
	s6 =	sadd.s32 @!p0 s3, s7;
	s7 =	simm.s32 @!p0 $0x108  }
0x21: {  	s3 =	sadd.s32 s3, s9;
	s6 =	sadd.s32 @!p0 $0x88, s6;
	s7 =	simm.s32 @p2 $0x1082  }
0x22: {  	[simem:s7], [sflag:s8] =	dma.local @!p0 [hbm:s6], $0xF7A  }
0x23: {  	s9 =	sor.u32 $0xD0000000, s2;
	s6 =	simm.s32 $0x108;
	_ =	swait.ge @!p0 [sflag:s8], $0x0  }
0x24: {  	s3 =	sadd.s32 $0x88, s3;
	s6 =	simm.s32 @!p1 $0x1082;
	[sflag:s4] =	ssyncset.s32 $0xFFFFF086  }
0x25: {  	[simem:s6], [sflag:s4] =	dma.local [hbm:s3], $0xF7A  }
0x26: {  	[smem:$0x3F9C] =	sst s1;
	(tag) =	ssettag s2;
	_ =	strace s9  }
0x27: {  	s1 =	sld [smem:$0x3FAC]  }
0x28: {  	s2 =	sld [smem:$0x3FAD]  }
0x29: {  	s4 =	sld [smem:$0x3FAF]  }
0x2a: {  	p0 =	seq.s32 s5, $0x0;
	s5 =	sld [smem:$0x3FB0]  }
0x2b: {  	s6 =	sld [smem:$0x3FB1]  }
0x2c: {  	s7 =	sld [smem:$0x3FB2]  }
0x2d: {  	s3 =	simm.s32 $0x108;
	s8 =	sld [smem:$0x3FB3]  }
0x2e: {  	s3 =	simm.s32 @!p0 $0x1082;
	s9 =	sld [smem:$0x3FB4]  }
0x2f: {  	lr =	sadd.s32 s0, s3;
	s0 =	sld [smem:$0x3FAB]  }
0x30: {  	s3 =	sld [smem:$0x3FAE]  }
0x31: {  	[smem:$0x3FB7] =	sst s10  }
0x32: {  	s10 =	sld [smem:$0x3FB5];
	_ =	sdelay $0x3  }
0x33: {  	p0 =	seq.s32 s10, $0x1;
	s10 =	sld [smem:$0x3FB7];
	_ =	sdelay $0x3  }
0x34: {  	[smem:$0x3FB7] =	sst s10  }
0x35: {  	s10 =	sld [smem:$0x3FB6];
	_ =	sdelay $0x3  }
0x36: {  	p1 =	seq.s32 s10, $0x1;
	s10 =	sld [smem:$0x3FB7];
	_ =	sdelay $0x3  }
0x37: {  	[smem:$0x3FB7] =	sst s10  }
0x38: {  	s10 =	sld [smem:$0x3FB8]  }
0x39: {  	_ = 	snop;
	(pc) =	sbr.ind lr, $3  }
0x3a: {  	_ = 	snop  }
0x3b: {  	_ = 	snop  }
0x3c: {  	p2 =	seq.s32 s10, $0x1;
	s10 =	sld [smem:$0x3FB7]  }
0x3d: {  	_ =	shalt  }
0x3e: {  	_ =	shalt  }
0x3f: {  	_ =	shalt  }
0x40: {  	_ =	shalt  }
0x41: {  	_ =	shalt  }
0x42: {  	_ =	shalt  }
0x43: {  	_ =	shalt  }
0x44: {  	_ =	shalt  }
0x45: {  	_ =	shalt  }
0x46: {  	_ =	shalt  }
0x47: {  	_ =	shalt  }
0x48: {  	_ =	shalt  }
0x49: {  	_ =	shalt  }
0x4a: {  	_ =	shalt  }
0x4b: {  	_ =	shalt  }
0x4c: {  	_ =	shalt  }
0x4d: {  	_ =	shalt  }
0x4e: {  	_ =	shalt  }
0x4f: {  	_ =	shalt  }
0x50: {  	_ =	shalt  }
0x51: {  	_ =	shalt  }
0x52: {  	_ =	shalt  }
0x53: {  	_ =	shalt  }
0x54: {  	_ =	shalt  }
0x55: {  	_ =	shalt  }
0x56: {  	_ =	shalt  }
0x57: {  	_ =	shalt  }
0x58: {  	_ =	shalt  }
0x59: {  	_ =	shalt  }
0x5a: {  	_ =	shalt  }
0x5b: {  	_ =	shalt  }
0x5c: {  	_ =	shalt  }
0x5d: {  	_ =	shalt  }
0x5e: {  	_ =	shalt  }
0x5f: {  	_ =	shalt  }
0x60: {  	_ =	shalt  }
0x61: {  	_ =	shalt  }
0x62: {  	_ =	shalt  }
0x63: {  	_ =	shalt  }
0x64: {  	_ =	shalt  }
0x65: {  	_ =	shalt  }
0x66: {  	_ =	shalt  }
0x67: {  	_ =	shalt  }
0x68: {  	_ =	shalt  }
0x69: {  	_ =	shalt  }
0x6a: {  	_ =	shalt  }
0x6b: {  	_ =	shalt  }
0x6c: {  	_ =	shalt  }
0x6d: {  	_ =	shalt  }
0x6e: {  	_ =	shalt  }
0x6f: {  	_ =	shalt  }
0x70: {  	_ =	shalt  }
0x71: {  	_ =	shalt  }
0x72: {  	_ =	shalt  }
0x73: {  	_ =	shalt  }
0x74: {  	_ =	shalt  }
0x75: {  	_ =	shalt  }
0x76: {  	_ =	shalt  }
0x77: {  	_ =	shalt  }
0x78: {  	_ =	shalt  }
0x79: {  	_ =	shalt  }
0x7a: {  	_ =	shalt  }
0x7b: {  	_ =	shalt  }
0x7c: {  	_ =	shalt  }
0x7d: {  	_ =	shalt  }
0x7e: {  	_ =	shalt  }
0x7f: {  	_ =	shalt  }
0x80: {  	_ =	shalt  }
0x81: {  	_ =	shalt  }
0x82: {  	_ =	shalt  }
0x83: {  	_ =	shalt  }
0x84: {  	_ =	shalt  }
0x85: {  	_ =	shalt  }
0x86: {  	_ =	shalt  }
0x87: {  	_ =	shalt  }
.Lfunc_end0:
.L_simem_size_0:
called_computation_lowered:
.L_overlay_start_0:
0x88: {  	s2 =	sld [smem:$0x3FD9]  }
0x89: {  	s3 =	sld [smem:$0x3FFE];
	_ =	sdelay $0x1  }
0x8a: {  	s1 =	srdreg.scid  }
0x8b: {  	s0 =	sand.u32 $0x1, s1  }
0x8c: {  	s17 =	sshll.u32 s0, $0xA;
	s2 =	sadd.s32 s3, s2  }
0x8d: {  	s2 =	sadd.s32 s2, s17  }
0x8e: {  	[smem:$0x3FC3] =	sst s2  }
0x8f: {  	_ = 	snop  }
0x90: {  	s2 =	sld [smem:$0x3FD0];
	(tm) =	ssettm $0x1  }
0x91: {  	s18 =	sld [smem:$0x3FFB];
	_ =	sdelay $0x3  }
0x92: {  	_ =	strace s18  }
0x93: {  	s3 =	sld [smem:$0x3FFC];
	_ =	sdelay $0x3  }
0x94: {  	_ =	strace s3  }
0x95: {  	s3 =	sld [smem:$0x3FFD];
	_ =	sdelay $0x3  }
0x96: {  	_ =	strace s3  }
0x97: {  	_ =	strace $0x8FFFFFFF  }
0x98: {  	s19 =	sld [smem:$0x3FDB];
	_ =	sdelay $0x1  }
0x99: {  	s4 =	simm.s32 $_scs_section_size  }
0x9a: {  	s5 =	simm.s32 $_size__tile_overlayer_lowered;
	s6 =	simm.s32 $_tile_overlayer_lowered  }
0x9b: {  	s22 =	simm.s32 $0x1BFF;
	s21 =	sshll.u32 s6, $0x1;
	s3 =	sadd.s32 s4, s19  }
0x9c: {  	s7 =	simm.s32 $0x0;
	s20 =	sshll.u32 s5, $0x1;
	s5 =	sadd.s32 s21, s3  }
0x9d: {  	[timem:s7], [sflag:s22] =	dma.local [hbm:s5], s20  }
0x9e: {  	_ =	swait.ge [sflag:s22], s20  }
0x9f: {  	s4 =	ssub.s32 $0x0, s20;
	[sflag:s22] =	ssyncset.done $0x0  }
0xa0: {  	[sflag:s22] =	ssyncadd.s32 s4;
	_ =	sdelay $0x1  }
0xa1: {  	s23 =	simm.s32 $0x1B8B  }
0xa2: {  	_ =	swait.ge [sflag:s23], $0x1  }
0xa3: {  	[sflag:s23] =	ssyncset.done $0x0  }
0xa4: {  	s25 =	simm.s32 $0x1B8E;
	s24 =	sld [smem:$0x3FFE];
	[sflag:s23] =	ssyncadd.s32 $0xFFFFFFFF  }
0xa5: {  	s26 =	simm.s32 $execute0_lowered;
	[smem:$0x3FD2] =	sst s25  }
0xa6: {  	s5 =	sshll.u32 s26, $0x1;
	_ =	strace $0x80000046;
	[dreg:$0x1] =	wrdreg $0xFFFFFFFF  }
0xa7: {  	s28 =	simm.s32 $_size_execute0_lowered;
	s3 =	sadd.s32 s3, s5;
	[dreg:$0x0] =	wrdreg $0x0  }
0xa8: {  	s5 =	sshll.u32 s28, $0x1;
	[dreg:$0x2] =	wrdreg s3  }
0xa9: {  	[dreg:$0x3] =	wrdreg s5  }
0xaa: {  	[dreg:$0x4] =	wrdreg $0xC0  }
0xab: {  	_ =	task [dreg:s7], $0x5FFFF  }
0xac: {  	[dreg:$0x1] =	wrdreg $0xFFFFFFFF  }
0xad: {  	[dreg:$0x0] =	wrdreg $0x60  }
0xae: {  	[dreg:$0x2] =	wrdreg s24  }
0xaf: {  	[dreg:$0x3] =	wrdreg s2  }
0xb0: {  	[dreg:$0x4] =	wrdreg $0x0  }
0xb1: {  	[dreg:$0x5] =	wrdreg $0x9  }
0xb2: {  	_ =	task.clear_ibuf [dreg:s7], $0x6FFFF;
	_ =	strace $0x90000046  }
0xb3: {  	s29 =	simm.s32 $0x9;
	_ =	strace $0x80000048  }
0xb4: {  	_ =	swait.ge [sflag:s29], $0x1  }
0xb5: {  	[sflag:s29] =	ssyncadd.s32 $0xFFFFFFFF  }
0xb6: {  	_ =	strace $0x90000048  }
0xb7: {  	_ =	sfence  }
0xb8: {  	s30 =	sld [smem:$0x0];
	_ =	sdelay $0x2  }
0xb9: {  	s31 =	sshll.u32 s1, $0xD;
	s1 =	sshrl.u32 s1, $0x2  }
0xba: {  	s3 =	sand.u32 $0x4000, s31;
	s1 =	sadd.s32 s1, s30  }
0xbb: {  	s0 =	sor.u32 s3, s0;
	s1 =	sshll.u32 s1, $0x11  }
0xbc: {  	s0 =	sor.u32 s1, s0  }
0xbd: {  	s0 =	sadd.s32 $0x8F2B, s0  }
0xbe: {  	[sflag:s0] =	ssyncadd.remote.s32 $0x1  }
0xbf: {  	_ =	sfence.sel $0xFFFF  }
0xc0: {  	[dreg:$0x0] =	wrdreg $0xFFFFFFFF;
	(pc) =	sbr.abs _section_cstart, $3  }
0xc1: {  	[dreg:$0x1] =	wrdreg $0xFFFFFFFF  }
0xc2: {  	_ =	task.clear_ibuf [dreg:s7], $0x2FFFF;
	_ =	strace $0x9FFFFFFF  }
0xc3: {  	(tm) =	ssettm $0x7FFFFFFF  }
tec
execute0_lowered:
.L_overlay_start_1:
0x0: {  	(tag) =	ssettag $0x1  }
0x1: {  	s5 =	rddreg [dreg:$0x0]  }
0x2: {  	s10 =	rddreg [dreg:$0x1];
	s0 =	srdreg.scid  }
0x3: {  	s2 =	rddreg [dreg:$0x2];
	s1 =	stileid.u32;
	s3 =	simm.s32 $0x0  }
0x4: {  	s16 =	simm.s32 $0x0;
	s7 =	sand.u32 $0x1, s0;
	s0 =	rddreg [dreg:$0x3]  }
0x5: {  	s6 =	smul.u32 $0x14000, s1;
	[smem:$0x7FF] =	sst s3;
	s8 =	sshll.u32 s1, $0xC  }
0x6: {  	s11 =	smul.u32 $0x50000, s1;
	s30 =	sshll.u32 s1, $0x6;
	p0 =	slt.u32 s1, $0x2  }
0x7: {  	s13 =	sshll.u32 s1, $0x8;
	s4 =	smul.u32 $0x140000, s7;
	_ =	strace $0x80000047  }
0x8: {  	s8 =	sadd.s32 s8, s5;
	s9 =	ssub.s32 $0x2, s7;
	s14 =	sshll.u32 s7, $0x7  }
0x9: {  	s15 =	sshll.u32 s7, $0xB;
	s28 =	sshrl.u32 s9, $0x1;
	s29 =	sshrl.u32 s11, $0x2  }
0xa: {  	s13 =	sor.u32 s14, s13;
	s31 =	sadd.s32 s15, s8;
	s14 =	simm.s32 $0x14000  }
0xb: {  	s15 =	simm.s32 $0x80;
	s4 =	sadd.s32 s6, s4;
	s9 =	ssub.s32 s9, s28  }
0xc: {  	s11 =	sadd.s32 s29, s2;
	s13 =	sshrl.u32 s13, $0x3;
	s6 =	sshrl.u32 s4, $0x3  }
0xd: {  	s4 =	sadd.s32 $0x4EC000, s5;
	s8 =	smax.u32 s9, $0x1;
	s9 =	sadd.s32 $0xA000, s31  }
0xe: {  	s10 =	sadd.s32 s13, s10;
	s11 =	sshrl.u32 s11, $0x3;
	s13 =	simm.s32 $0x18000  }
0xf: {  	s12 =	sadd.s32 s6, s5;
	s5 =	sor.u32 $0x1C01, s30;
	s6 =	simm.s32 $0x4F  }
0x10: {  	s6 =	simm.s32 @!p0 $0x4E;
	s7 =	sadd.s32 $0x4EE800, s12;
	s12 =	simm.s32 $0x1  }
.LBB2_1:
0x11: {  	[spmem:s11], [sflag:s5] =	dma.local [hbm:s4], $0x2800  }
0x12: {  	_ =	swait.ge [sflag:s12], $0x2800  }
0x13: {  	[sflag:s12] =	ssyncset.done $0x0  }
0x14: {  	[sflag:s12] =	ssyncadd.s32 $0xFFFFD800  }
0x15: {  	[bflag:$0x0] =	sbarrier.arrive $0xFFFF  }
0x16: {  	[tilespmem:s13], [sflag:$0x1] =	stream.linear.gather [hbm4b:s10+s3], $0x80, $0x38;
	[tilespmem:$0x18080] =	vst v63  }
0x17: {  	_ =	swait.ge [sflag:s12], $0x80  }
0x18: {  	[sflag:s12] =	ssyncset.done $0x0  }
0x19: {  	[sflag:s12] =	ssyncadd.s32 $0xFFFFFF80  }
0x1a: {  	[tilespmem:s14], [sflag:$0x1] =	stream.linear.gather [hbm4b:s9+s3], $0x4000, $0x38;
	[tilespmem:$0x18080] =	vst v63  }
0x1b: {  	p0 =	sne.s32 s6, $0x1;
	_ =	swait.ge [sflag:s12], $0x4000  }
.Ltmp0:
0x1c: {  	[sflag:s12] =	ssyncset.done $0x0;
	(pc) =	sbr.rel @!p0 .LBB2_3-.Ltmp0, $4  }
0x1d: {  	[sflag:s12] =	ssyncadd.s32 $0xFFFFC000  }
0x1e: {  	[spmem:s2] =	stream.indirect.scatter.add.f32 [tilespmem:s14], [sflag:$0x1], $0x80, s13, s15, $0xb8;
	[tilespmem:$0x18080] =	vst v63  }
0x1f: {  	s17 =	sadd.s32 $0xFFFFFFFF, s6;
	_ =	swait.ge [sflag:s12], $0x4000  }
0x20: {  	s18 =	smov.u32 s9;
	s19 =	smov.u32 s10;
	[sflag:s12] =	ssyncset.done $0x0  }
.LBB2_2:
0x21: {  	[sflag:s12] =	ssyncadd.s32 $0xFFFFC000;
	s18 =	sadd.s32 $0x10000, s18;
	s19 =	sadd.s32 $0x200, s19  }
0x22: {  	[tilespmem:s13], [sflag:$0x1] =	stream.linear.gather [hbm4b:s19+s3], $0x80, $0x38;
	[tilespmem:$0x18080] =	vst v63  }
0x23: {  	p0 =	sne.s32 s17, $0x1;
	s17 =	sadd.s32 $0xFFFFFFFF, s17;
	_ =	swait.ge [sflag:s12], $0x80  }
0x24: {  	[sflag:s12] =	ssyncset.done $0x0  }
0x25: {  	[sflag:s12] =	ssyncadd.s32 $0xFFFFFF80  }
0x26: {  	[tilespmem:s14], [sflag:$0x1] =	stream.linear.gather [hbm4b:s18+s3], $0x4000, $0x38;
	[tilespmem:$0x18080] =	vst v63  }
0x27: {  	_ =	swait.ge [sflag:s12], $0x4000  }
.Ltmp1:
0x28: {  	[sflag:s12] =	ssyncset.done $0x0;
	(pc) =	sbr.rel @p0 .LBB2_2-.Ltmp1, $4  }
0x29: {  	[sflag:s12] =	ssyncadd.s32 $0xFFFFC000  }
0x2a: {  	[spmem:s2] =	stream.indirect.scatter.add.f32 [tilespmem:s14], [sflag:$0x1], $0x80, s13, s15, $0xb8;
	[tilespmem:$0x18080] =	vst v63  }
0x2b: {  	_ =	swait.ge [sflag:s12], $0x4000  }
0x2c: {  	[sflag:s12] =	ssyncset.done $0x0  }
.LBB2_3:
0x2d: {  	s16 =	sadd.s32 $0x1, s16  }
0x2e: {  	[sflag:s12] =	ssyncadd.s32 $0xFFFFC000;
	p0 =	sne.s32 s16, s8  }
.Ltmp2:
0x2f: {  	[bflag:$0x0] =	sbarrier.arrive $0xFFFF;
	(pc) =	sbr.rel @p0 .LBB2_1-.Ltmp2, $4  }
0x30: {  	[hbm:s7], [sflag:s5] =	dma.local [spmem:s11], $0x2800  }
0x31: {  	_ =	swait.ge [sflag:s12], $0x2800  }
0x32: {  	[sflag:s12] =	ssyncset.done $0x0  }
0x33: {  	[sflag:s12] =	ssyncadd.s32 $0xFFFFD800  }
0x34: {  	_ =	sfence.sel $0x180000  }
0x35: {  	[bflag:$0x0] =	sbarrier.arrive $0xFFFF  }
0x36: {  	p0 =	sne.s32 s1, $0x0;
	_ =	strace $0x90000047  }
0x37: {  	s0 =	sadd.s32 @!p0 $0x100000, s0;
	[bflag:$0x2] =	sbarrier.arrive $0xFFFF  }
0x38: {  	[sflag:s0] =	ssyncadd.tile.s32 @!p0 $0x1;
	_ =	shalt  }
.Lfunc_end2:
_tile_overlayer_lowered:
.L_overlay_start_2:
0x39: {  	(tag) =	ssettag $0x2  }
0x3a: {  	s0 =	rddreg [dreg:$0x0];
	s2 =	stileid.u32  }
0x3b: {  	s1 =	rddreg [dreg:$0x1];
	p0 =	sne.s32 s2, $0x0  }
0x3c: {  	s3 =	rddreg [dreg:$0x2];
	[bflag:$0x3] =	sbarrier.arrive $0xFFFF;
	s2 =	simm.s32 @!p0 $0x1C01  }
0x3d: {  	[timem:s3], [sflag:s2] =	dma.local @!p0 [hbm:s0], s1  }
0x3e: {  	s0 =	simm.s32 @!p0 $0x1  }
0x3f: {  	_ =	swait.ge @!p0 [sflag:s0], s1  }
0x40: {  	s1 =	ssub.s32 @!p0 $0x0, s1;
	[sflag:s0] =	ssyncset.done @!p0 $0x0  }
0x41: {  	[sflag:s0] =	ssyncadd.s32 @!p0 s1  }
0x42: {  	[bflag:$0x3] =	sbarrier.arrive $0xFFFF  }
0x43: {  	_ =	shalt  }

// kernel: kernel.8.cloned.1.call-start
scs
__scs_entry_jumppad:
0x0: {  	(pc) =	sbr.rel $0x88, $3  }
0x1: {  	(tag) =	ssettag $0x0;
	lr =	simm.s32 $0x1  }
0x2: {  	[smem:$0x3F9C] =	sst lr;
	_ =	strace $0xD0000000  }
0x3: {  	_ = 	snop  }
0x4: {  	_ = 	snop  }
0x5: {  	_ = 	snop  }
0x6: {  	_ = 	snop  }
0x7: {  	_ = 	snop  }
__scs_overlays_trampoline_lowered:
0x8: {  	[smem:$0x3FAB] =	sst s0  }
0x9: {  	[smem:$0x3FAC] =	sst s1  }
0xa: {  	[smem:$0x3FAD] =	sst s2  }
0xb: {  	[smem:$0x3FAE] =	sst s3  }
0xc: {  	[smem:$0x3FAF] =	sst s4  }
0xd: {  	[smem:$0x3FB0] =	sst s5  }
0xe: {  	[smem:$0x3FB1] =	sst s6  }
0xf: {  	[smem:$0x3FB2] =	sst s7  }
0x10: {  	[smem:$0x3FB3] =	sst s8  }
0x11: {  	[smem:$0x3FB4] =	sst s9;
	s0 =	simm.s32 @!p0 $0x0  }
0x12: {  	s1 =	sld [smem:$0x3F9A];
	s0 =	simm.s32 @p0 $0x1  }
0x13: {  	[smem:$0x3FB5] =	sst s0;
	s0 =	simm.s32 @!p1 $0x0  }
0x14: {  	s2 =	sld [smem:$0x3F99];
	s0 =	simm.s32 @p1 $0x1  }
0x15: {  	[smem:$0x3FB6] =	sst s0;
	s0 =	simm.s32 @!p2 $0x0  }
0x16: {  	s3 =	sld [smem:$0x3FDB];
	s0 =	simm.s32 @p2 $0x1  }
0x17: {  	s4 =	simm.s32 $0x1BF5;
	[smem:$0x3FB8] =	sst s0  }
0x18: {  	s0 =	sld [smem:$0x3F9B];
	_ =	swait.ge [sflag:s4], $0x0  }
0x19: {  	s7 =	sld [smem:$0x3F9C]  }
0x1a: {  	s8 =	sadd.s32 $0xFFFFE003, lr  }
0x1b: {  	s9 =	sadd.s32 $0xFFFFFEF7, lr;
	s5 =	simm.s32 $0xFFFFFFFF;
	p2 =	slt.u32 s8, $0xFFFFF086  }
0x1c: {  	p1 =	slt.u32 s9, $0xF7A;
	s5 =	simm.s32 @!p2 $0x0  }
0x1d: {  	s5 =	simm.s32 @p1 $0x1;
	p0 =	seq.s32 s7, s2  }
0x1e: {  	s7 =	smul.u32 @!p0 $0xF7A, s2;
	p2 =	seq.s32 @!p0 s5, $0x0  }
0x1f: {  	s9 =	smul.u32 $0xF7A, s1;
	s8 =	simm.s32 @!p0 $0x1BF5;
	p2 =	por !p2, p0  }
0x20: {  	[sflag:s8] =	ssyncset.s32 @!p0 $0xFFFFF086;
	s6 =	sadd.s32 @!p0 s3, s7;
	s7 =	simm.s32 @!p0 $0x108  }
0x21: {  	s3 =	sadd.s32 s3, s9;
	s6 =	sadd.s32 @!p0 $0x88, s6;
	s7 =	simm.s32 @p2 $0x1082  }
0x22: {  	[simem:s7], [sflag:s8] =	dma.local @!p0 [hbm:s6], $0xF7A  }
0x23: {  	s9 =	sor.u32 $0xD0000000, s2;
	s6 =	simm.s32 $0x108;
	_ =	swait.ge @!p0 [sflag:s8], $0x0  }
0x24: {  	s3 =	sadd.s32 $0x88, s3;
	s6 =	simm.s32 @!p1 $0x1082;
	[sflag:s4] =	ssyncset.s32 $0xFFFFF086  }
0x25: {  	[simem:s6], [sflag:s4] =	dma.local [hbm:s3], $0xF7A  }
0x26: {  	[smem:$0x3F9C] =	sst s1;
	(tag) =	ssettag s2;
	_ =	strace s9  }
0x27: {  	s1 =	sld [smem:$0x3FAC]  }
0x28: {  	s2 =	sld [smem:$0x3FAD]  }
0x29: {  	s4 =	sld [smem:$0x3FAF]  }
0x2a: {  	p0 =	seq.s32 s5, $0x0;
	s5 =	sld [smem:$0x3FB0]  }
0x2b: {  	s6 =	sld [smem:$0x3FB1]  }
0x2c: {  	s7 =	sld [smem:$0x3FB2]  }
0x2d: {  	s3 =	simm.s32 $0x108;
	s8 =	sld [smem:$0x3FB3]  }
0x2e: {  	s3 =	simm.s32 @!p0 $0x1082;
	s9 =	sld [smem:$0x3FB4]  }
0x2f: {  	lr =	sadd.s32 s0, s3;
	s0 =	sld [smem:$0x3FAB]  }
0x30: {  	s3 =	sld [smem:$0x3FAE]  }
0x31: {  	[smem:$0x3FB7] =	sst s10  }
0x32: {  	s10 =	sld [smem:$0x3FB5];
	_ =	sdelay $0x3  }
0x33: {  	p0 =	seq.s32 s10, $0x1;
	s10 =	sld [smem:$0x3FB7];
	_ =	sdelay $0x3  }
0x34: {  	[smem:$0x3FB7] =	sst s10  }
0x35: {  	s10 =	sld [smem:$0x3FB6];
	_ =	sdelay $0x3  }
0x36: {  	p1 =	seq.s32 s10, $0x1;
	s10 =	sld [smem:$0x3FB7];
	_ =	sdelay $0x3  }
0x37: {  	[smem:$0x3FB7] =	sst s10  }
0x38: {  	s10 =	sld [smem:$0x3FB8]  }
0x39: {  	_ = 	snop;
	(pc) =	sbr.ind lr, $3  }
0x3a: {  	_ = 	snop  }
0x3b: {  	_ = 	snop  }
0x3c: {  	p2 =	seq.s32 s10, $0x1;
	s10 =	sld [smem:$0x3FB7]  }
0x3d: {  	_ =	shalt  }
0x3e: {  	_ =	shalt  }
0x3f: {  	_ =	shalt  }
0x40: {  	_ =	shalt  }
0x41: {  	_ =	shalt  }
0x42: {  	_ =	shalt  }
0x43: {  	_ =	shalt  }
0x44: {  	_ =	shalt  }
0x45: {  	_ =	shalt  }
0x46: {  	_ =	shalt  }
0x47: {  	_ =	shalt  }
0x48: {  	_ =	shalt  }
0x49: {  	_ =	shalt  }
0x4a: {  	_ =	shalt  }
0x4b: {  	_ =	shalt  }
0x4c: {  	_ =	shalt  }
0x4d: {  	_ =	shalt  }
0x4e: {  	_ =	shalt  }
0x4f: {  	_ =	shalt  }
0x50: {  	_ =	shalt  }
0x51: {  	_ =	shalt  }
0x52: {  	_ =	shalt  }
0x53: {  	_ =	shalt  }
0x54: {  	_ =	shalt  }
0x55: {  	_ =	shalt  }
0x56: {  	_ =	shalt  }
0x57: {  	_ =	shalt  }
0x58: {  	_ =	shalt  }
0x59: {  	_ =	shalt  }
0x5a: {  	_ =	shalt  }
0x5b: {  	_ =	shalt  }
0x5c: {  	_ =	shalt  }
0x5d: {  	_ =	shalt  }
0x5e: {  	_ =	shalt  }
0x5f: {  	_ =	shalt  }
0x60: {  	_ =	shalt  }
0x61: {  	_ =	shalt  }
0x62: {  	_ =	shalt  }
0x63: {  	_ =	shalt  }
0x64: {  	_ =	shalt  }
0x65: {  	_ =	shalt  }
0x66: {  	_ =	shalt  }
0x67: {  	_ =	shalt  }
0x68: {  	_ =	shalt  }
0x69: {  	_ =	shalt  }
0x6a: {  	_ =	shalt  }
0x6b: {  	_ =	shalt  }
0x6c: {  	_ =	shalt  }
0x6d: {  	_ =	shalt  }
0x6e: {  	_ =	shalt  }
0x6f: {  	_ =	shalt  }
0x70: {  	_ =	shalt  }
0x71: {  	_ =	shalt  }
0x72: {  	_ =	shalt  }
0x73: {  	_ =	shalt  }
0x74: {  	_ =	shalt  }
0x75: {  	_ =	shalt  }
0x76: {  	_ =	shalt  }
0x77: {  	_ =	shalt  }
0x78: {  	_ =	shalt  }
0x79: {  	_ =	shalt  }
0x7a: {  	_ =	shalt  }
0x7b: {  	_ =	shalt  }
0x7c: {  	_ =	shalt  }
0x7d: {  	_ =	shalt  }
0x7e: {  	_ =	shalt  }
0x7f: {  	_ =	shalt  }
0x80: {  	_ =	shalt  }
0x81: {  	_ =	shalt  }
0x82: {  	_ =	shalt  }
0x83: {  	_ =	shalt  }
0x84: {  	_ =	shalt  }
0x85: {  	_ =	shalt  }
0x86: {  	_ =	shalt  }
0x87: {  	_ =	shalt  }
.Lfunc_end0:
.L_simem_size_0:
called_computation.1_lowered:
.L_overlay_start_0:
0x88: {  	s2 =	sld [smem:$0x3FD9]  }
0x89: {  	s3 =	sld [smem:$0x3FFE];
	_ =	sdelay $0x1  }
0x8a: {  	s1 =	srdreg.scid  }
0x8b: {  	s0 =	sand.u32 $0x1, s1  }
0x8c: {  	s17 =	sshll.u32 s0, $0xA;
	s2 =	sadd.s32 s3, s2  }
0x8d: {  	s2 =	sadd.s32 s2, s17  }
0x8e: {  	[smem:$0x3FC3] =	sst s2  }
0x8f: {  	_ = 	snop  }
0x90: {  	s2 =	sld [smem:$0x3FC7]  }
0x91: {  	s18 =	sld [smem:$0x3FC5]  }
0x92: {  	s4 =	sld [smem:$0x3FD0];
	(tm) =	ssettm $0x1  }
0x93: {  	s5 =	sld [smem:$0x3FFB];
	_ =	sdelay $0x3  }
0x94: {  	_ =	strace s5  }
0x95: {  	s5 =	sld [smem:$0x3FFC];
	_ =	sdelay $0x3  }
0x96: {  	_ =	strace s5  }
0x97: {  	s5 =	sld [smem:$0x3FFD];
	_ =	sdelay $0x3  }
0x98: {  	_ =	strace s5  }
0x99: {  	_ =	strace $0x8FFFFFFF  }
0x9a: {  	s19 =	sld [smem:$0x3FDB];
	_ =	sdelay $0x1  }
0x9b: {  	s6 =	simm.s32 $_scs_section_size  }
0x9c: {  	s7 =	simm.s32 $_size__tile_overlayer_lowered;
	s8 =	simm.s32 $_tile_overlayer_lowered  }
0x9d: {  	s22 =	simm.s32 $0x1BFF;
	s21 =	sshll.u32 s8, $0x1;
	s5 =	sadd.s32 s6, s19  }
0x9e: {  	s9 =	simm.s32 $0x0;
	s20 =	sshll.u32 s7, $0x1;
	s7 =	sadd.s32 s21, s5  }
0x9f: {  	[timem:s9], [sflag:s22] =	dma.local [hbm:s7], s20  }
0xa0: {  	_ =	swait.ge [sflag:s22], s20  }
0xa1: {  	s6 =	ssub.s32 $0x0, s20;
	[sflag:s22] =	ssyncset.done $0x0  }
0xa2: {  	[sflag:s22] =	ssyncadd.s32 s6;
	_ =	sdelay $0x1  }
0xa3: {  	s23 =	simm.s32 $0x1B8B  }
0xa4: {  	_ =	swait.ge [sflag:s23], $0x1  }
0xa5: {  	[sflag:s23] =	ssyncset.done $0x0  }
0xa6: {  	s25 =	simm.s32 $0x1B8E;
	s24 =	sld [smem:$0x3FFE];
	[sflag:s23] =	ssyncadd.s32 $0xFFFFFFFF  }
0xa7: {  	s26 =	simm.s32 $execute0_lowered;
	[smem:$0x3FD2] =	sst s25  }
0xa8: {  	s7 =	sshll.u32 s26, $0x1;
	_ =	strace $0x80000049;
	[dreg:$0x1] =	wrdreg $0xFFFFFFFF  }
0xa9: {  	s28 =	simm.s32 $_size_execute0_lowered;
	s5 =	sadd.s32 s5, s7;
	[dreg:$0x0] =	wrdreg $0x0  }
0xaa: {  	s7 =	sshll.u32 s28, $0x1;
	[dreg:$0x2] =	wrdreg s5  }
0xab: {  	[dreg:$0x3] =	wrdreg s7  }
0xac: {  	[dreg:$0x4] =	wrdreg $0xC0  }
0xad: {  	_ =	task [dreg:s9], $0x5FFFF  }
0xae: {  	[dreg:$0x1] =	wrdreg $0xFFFFFFFF  }
0xaf: {  	[dreg:$0x0] =	wrdreg $0x60  }
0xb0: {  	[dreg:$0x2] =	wrdreg s24  }
0xb1: {  	[dreg:$0x3] =	wrdreg s18  }
0xb2: {  	[dreg:$0x4] =	wrdreg s2  }
0xb3: {  	[dreg:$0x5] =	wrdreg s4  }
0xb4: {  	[dreg:$0x6] =	wrdreg $0x0  }
0xb5: {  	[dreg:$0x7] =	wrdreg $0x9  }
0xb6: {  	_ =	task.clear_ibuf [dreg:s9], $0x8FFFF;
	_ =	strace $0x90000049  }
0xb7: {  	s29 =	simm.s32 $0x9;
	_ =	strace $0x8000004B  }
0xb8: {  	_ =	swait.ge [sflag:s29], $0x1  }
0xb9: {  	[sflag:s29] =	ssyncadd.s32 $0xFFFFFFFF  }
0xba: {  	_ =	strace $0x9000004B  }
0xbb: {  	_ =	sfence  }
0xbc: {  	s30 =	sld [smem:$0x0];
	_ =	sdelay $0x2  }
0xbd: {  	s31 =	sshll.u32 s1, $0xD;
	s1 =	sshrl.u32 s1, $0x2  }
0xbe: {  	s3 =	sand.u32 $0x4000, s31;
	s1 =	sadd.s32 s1, s30  }
0xbf: {  	s0 =	sor.u32 s3, s0;
	s1 =	sshll.u32 s1, $0x11  }
0xc0: {  	s0 =	sor.u32 s1, s0  }
0xc1: {  	s0 =	sadd.s32 $0x8F2B, s0  }
0xc2: {  	[sflag:s0] =	ssyncadd.remote.s32 $0x1  }
0xc3: {  	_ =	sfence.sel $0xFFFF  }
0xc4: {  	[dreg:$0x0] =	wrdreg $0xFFFFFFFF;
	(pc) =	sbr.abs _section_cstart, $3  }
0xc5: {  	[dreg:$0x1] =	wrdreg $0xFFFFFFFF  }
0xc6: {  	_ =	task.clear_ibuf [dreg:s9], $0x2FFFF;
	_ =	strace $0x9FFFFFFF  }
0xc7: {  	(tm) =	ssettm $0x7FFFFFFF  }
tec
execute0_lowered:
.L_overlay_start_1:
0x0: {  	(tag) =	ssettag $0x1  }
0x1: {  	s12 =	rddreg [dreg:$0x0]  }
0x2: {  	s1 =	rddreg [dreg:$0x1]  }
0x3: {  	s2 =	rddreg [dreg:$0x2]  }
0x4: {  	s3 =	rddreg [dreg:$0x3]  }
0x5: {  	s4 =	rddreg [dreg:$0x4]  }
0x6: {  	s0 =	rddreg [dreg:$0x5];
	s5 =	simm.s32 $0x0;
	s6 =	srdreg.scid  }
0x7: {  	s16 =	simm.s32 $0x1;
	s17 =	simm.s32 $0x14080;
	s18 =	simm.s32 $0x18080  }
0x8: {  	s19 =	simm.s32 $0x1C080;
	s20 =	simm.s32 $0x1C100;
	s21 =	simm.s32 $0x80  }
0x9: {  	s22 =	simm.s32 $0x0;
	[smem:$0x7FF] =	sst s5;
	s13 =	sand.u32 $0x1, s6  }
0xa: {  	s7 =	sadd.s32 $0xA000, s12;
	s8 =	sadd.s32 $0x4EE800, s12;
	s9 =	sadd.s32 $0x200, s12  }
0xb: {  	s6 =	stileid.u32;
	s12 =	sadd.s32 $0x516800, s12;
	_ =	strace $0x8000004A  }
0xc: {  	s10 =	ssub.s32 $0x2, s13;
	s15 =	sshll.u32 s6, $0x8;
	s13 =	sshll.u32 s13, $0x7  }
0xd: {  	p0 =	slt.u32 s6, $0x2;
	s11 =	sshrl.u32 s10, $0x1;
	s13 =	sor.u32 s13, s15  }
0xe: {  	s15 =	simm.s32 $0x14000;
	s14 =	ssub.s32 s10, s11;
	s11 =	simm.s32 $0x4F  }
0xf: {  	s10 =	smul.u32 $0x280, s6;
	s11 =	simm.s32 @!p0 $0x4E;
	s14 =	smax.u32 s14, $0x1  }
.LBB2_1:
0x10: {  	[tilespmem:s15], [sflag:$0x1] =	stream.linear.gather [hbm4b:s1+s5], $0x80, $0x38;
	[tilespmem:$0x1C180] =	vst v63  }
0x11: {  	_ =	swait.ge [sflag:s16], $0x80  }
0x12: {  	[sflag:s16] =	ssyncset.done $0x0  }
0x13: {  	s23 =	simm.s32 $0x0;
	[sflag:s16] =	ssyncadd.s32 $0xFFFFFF80  }
.LBB2_2:
0x14: {  	s24 =	sshll.u32 s23, $0x7  }
0x15: {  	s24 =	sadd.s32 s10, s24  }
0x16: {  	s25 =	sshll.u32 s24, $0x4  }
0x17: {  	s28 =	simm.s32 $0x0;
	s26 =	sadd.s32 s8, s25  }
0x18: {  	[tilespmem:s17], [sflag:$0x1] =	stream.linear.gather [hbm4b:s26+s28], $0x4000, $0x38;
	[tilespmem:$0x1C180] =	vst v63  }
0x19: {  	_ =	swait.ge [sflag:s16], $0x4000  }
0x1a: {  	[sflag:s16] =	ssyncset.done $0x0  }
0x1b: {  	s25 =	sadd.s32 s25, s12;
	[sflag:s16] =	ssyncadd.s32 $0xFFFFC000  }
0x1c: {  	[tilespmem:s18], [sflag:$0x1] =	stream.linear.gather [hbm4b:s25+s28], $0x4000, $0x38;
	[tilespmem:$0x1C180] =	vst v63  }
0x1d: {  	_ =	swait.ge [sflag:s16], $0x4000  }
0x1e: {  	[sflag:s16] =	ssyncset.done $0x0  }
0x1f: {  	s25 =	simm.s32 $0x0;
	[sflag:s16] =	ssyncadd.s32 $0xFFFFC000  }
0x20: {  	v0 =	vld [tilespmem:s25+$0x18080]  }
0x21: {  	v1 =	vld [tilespmem:s25+$0x14080];
	_ =	sdelay $0x1  }
0x22: {  	v2 =	vld [tilespmem:$0x14000];
	_ =	sdelay $0x2  }
0x23: {  	v0 =	vadd.f32 v0, v1;
	_ =	sdelay $0x1  }
0x24: {  	v1 =	vld [tilespmem:s25+$0x18090];
	v0 =	vadd.f32 v2, v0  }
0x25: {  	v2 =	vld [tilespmem:s25+$0x14090]  }
0x26: {  	[tilespmem:s25+$0x14080] =	vst v0  }
0x27: {  	v0 =	vld [tilespmem:$0x14010];
	_ =	sdelay $0x2  }
0x28: {  	v1 =	vadd.f32 v1, v2;
	_ =	sdelay $0x1  }
0x29: {  	v2 =	vld [tilespmem:s25+$0x140A0];
	v0 =	vadd.f32 v0, v1  }
0x2a: {  	v1 =	vld [tilespmem:s25+$0x180A0]  }
0x2b: {  	[tilespmem:s25+$0x14090] =	vst v0  }
0x2c: {  	v0 =	vld [tilespmem:$0x14020];
	_ =	sdelay $0x2  }
0x2d: {  	v1 =	vadd.f32 v1, v2;
	_ =	sdelay $0x1  }
0x2e: {  	v2 =	vld [tilespmem:s25+$0x140B0];
	v0 =	vadd.f32 v0, v1  }
0x2f: {  	v1 =	vld [tilespmem:s25+$0x180B0]  }
0x30: {  	[tilespmem:s25+$0x140A0] =	vst v0  }
0x31: {  	v0 =	vld [tilespmem:$0x14030];
	_ =	sdelay $0x2  }
0x32: {  	v1 =	vadd.f32 v1, v2;
	_ =	sdelay $0x1  }
0x33: {  	v2 =	vld [tilespmem:s25+$0x140C0];
	v0 =	vadd.f32 v0, v1  }
0x34: {  	v1 =	vld [tilespmem:s25+$0x180C0]  }
0x35: {  	[tilespmem:s25+$0x140B0] =	vst v0  }
0x36: {  	v0 =	vld [tilespmem:$0x14040];
	_ =	sdelay $0x2  }
0x37: {  	v1 =	vadd.f32 v1, v2;
	_ =	sdelay $0x1  }
0x38: {  	v2 =	vld [tilespmem:s25+$0x140D0];
	v0 =	vadd.f32 v0, v1  }
0x39: {  	v1 =	vld [tilespmem:s25+$0x180D0]  }
0x3a: {  	[tilespmem:s25+$0x140C0] =	vst v0  }
0x3b: {  	v0 =	vld [tilespmem:$0x14050];
	_ =	sdelay $0x2  }
0x3c: {  	v1 =	vadd.f32 v1, v2;
	_ =	sdelay $0x1  }
0x3d: {  	v2 =	vld [tilespmem:s25+$0x140E0];
	v0 =	vadd.f32 v0, v1  }
0x3e: {  	v1 =	vld [tilespmem:s25+$0x180E0]  }
0x3f: {  	[tilespmem:s25+$0x140D0] =	vst v0  }
0x40: {  	v0 =	vld [tilespmem:$0x14060];
	_ =	sdelay $0x2  }
0x41: {  	v1 =	vadd.f32 v1, v2;
	_ =	sdelay $0x1  }
0x42: {  	v2 =	vld [tilespmem:s25+$0x140F0];
	v0 =	vadd.f32 v0, v1  }
0x43: {  	v1 =	vld [tilespmem:s25+$0x180F0]  }
0x44: {  	[tilespmem:s25+$0x140E0] =	vst v0  }
0x45: {  	v3 =	vld [tilespmem:$0x14070];
	_ =	sdelay $0x2  }
0x46: {  	v1 =	vadd.f32 v1, v2  }
0x47: {  	s28 =	simm.s32 $0x80  }
0x48: {  	s26 =	simm.s32 $0x400;
	v0 =	vld [tilespmem:s28+$0x18080];
	v1 =	vadd.f32 v3, v1  }
.LBB2_3:
0x49: {  	p0 =	sne.s32 s26, $0xFE00;
	v2 =	vld [tilespmem:s28+$0x14080]  }
0x4a: {  	[tilespmem:s25+$0x140F0] =	vst v1;
	s25 =	smov.u32 s28  }
0x4b: {  	v1 =	vld [tilespmem:$0x14000];
	_ =	sdelay $0x2  }
0x4c: {  	v0 =	vadd.f32 v0, v2;
	_ =	sdelay $0x1  }
0x4d: {  	v0 =	vadd.f32 v1, v0;
	v1 =	vld [tilespmem:s25+$0x18090]  }
0x4e: {  	v2 =	vld [tilespmem:s25+$0x14090]  }
0x4f: {  	[tilespmem:s25+$0x14080] =	vst v0  }
0x50: {  	v0 =	vld [tilespmem:$0x14010];
	_ =	sdelay $0x2  }
0x51: {  	v1 =	vadd.f32 v1, v2;
	_ =	sdelay $0x1  }
0x52: {  	v0 =	vadd.f32 v0, v1;
	v1 =	vld [tilespmem:s25+$0x180A0]  }
0x53: {  	v2 =	vld [tilespmem:s25+$0x140A0]  }
0x54: {  	[tilespmem:s25+$0x14090] =	vst v0  }
0x55: {  	v0 =	vld [tilespmem:$0x14020];
	_ =	sdelay $0x2  }
0x56: {  	v1 =	vadd.f32 v1, v2;
	_ =	sdelay $0x1  }
0x57: {  	v0 =	vadd.f32 v0, v1;
	v1 =	vld [tilespmem:s25+$0x180B0]  }
0x58: {  	v2 =	vld [tilespmem:s25+$0x140B0]  }
0x59: {  	[tilespmem:s25+$0x140A0] =	vst v0  }
0x5a: {  	v0 =	vld [tilespmem:$0x14030];
	_ =	sdelay $0x2  }
0x5b: {  	v1 =	vadd.f32 v1, v2;
	_ =	sdelay $0x1  }
0x5c: {  	v0 =	vadd.f32 v0, v1;
	v1 =	vld [tilespmem:s25+$0x180C0]  }
0x5d: {  	v2 =	vld [tilespmem:s25+$0x140C0]  }
0x5e: {  	[tilespmem:s25+$0x140B0] =	vst v0  }
0x5f: {  	v0 =	vld [tilespmem:$0x14040];
	_ =	sdelay $0x2  }
0x60: {  	v1 =	vadd.f32 v1, v2;
	_ =	sdelay $0x1  }
0x61: {  	v0 =	vadd.f32 v0, v1;
	v1 =	vld [tilespmem:s25+$0x180D0]  }
0x62: {  	v2 =	vld [tilespmem:s25+$0x140D0]  }
0x63: {  	[tilespmem:s25+$0x140C0] =	vst v0  }
0x64: {  	v0 =	vld [tilespmem:$0x14050];
	_ =	sdelay $0x2  }
0x65: {  	v1 =	vadd.f32 v1, v2;
	_ =	sdelay $0x1  }
0x66: {  	v0 =	vadd.f32 v0, v1;
	v1 =	vld [tilespmem:s25+$0x180E0]  }
0x67: {  	v2 =	vld [tilespmem:s25+$0x140E0]  }
0x68: {  	[tilespmem:s25+$0x140D0] =	vst v0  }
0x69: {  	v0 =	vld [tilespmem:$0x14060];
	_ =	sdelay $0x2  }
0x6a: {  	v1 =	vadd.f32 v1, v2;
	_ =	sdelay $0x1  }
0x6b: {  	v0 =	vadd.f32 v0, v1;
	v1 =	vld [tilespmem:s25+$0x180F0]  }
0x6c: {  	v2 =	vld [tilespmem:s25+$0x140F0]  }
0x6d: {  	[tilespmem:s25+$0x140E0] =	vst v0  }
0x6e: {  	v3 =	vld [tilespmem:$0x14070]  }
.Ltmp0:
0x6f: {  	(pc) =	sbr.rel @p0 .LBB2_3-.Ltmp0, $4  }
0x70: {  	_ = 	snop  }
0x71: {  	v1 =	vadd.f32 v1, v2  }
0x72: {  	s28 =	sshra.s32 s26, $0x2  }
0x73: {  	s26 =	sadd.s32 $0x200, s26;
	v0 =	vld [tilespmem:s28+$0x18080];
	v1 =	vadd.f32 v3, v1  }
0x74: {  	v2 =	vld [tilespmem:s28+$0x14080]  }
0x75: {  	[tilespmem:s25+$0x140F0] =	vst v1  }
0x76: {  	v1 =	vld [tilespmem:$0x14000];
	_ =	sdelay $0x2  }
0x77: {  	v0 =	vadd.f32 v0, v2;
	_ =	sdelay $0x1  }
0x78: {  	v50 =	vld [tilespmem:s28+$0x18090];
	v0 =	vadd.f32 v1, v0  }
0x79: {  	v51 =	vld [tilespmem:s28+$0x14090]  }
0x7a: {  	[tilespmem:s28+$0x14080] =	vst v0  }
0x7b: {  	v0 =	vld [tilespmem:$0x14010];
	_ =	sdelay $0x2  }
0x7c: {  	v1 =	vadd.f32 v50, v51;
	_ =	sdelay $0x1  }
0x7d: {  	v52 =	vld [tilespmem:s28+$0x180A0];
	v0 =	vadd.f32 v0, v1  }
0x7e: {  	v53 =	vld [tilespmem:s28+$0x140A0]  }
0x7f: {  	[tilespmem:s28+$0x14090] =	vst v0  }
0x80: {  	v0 =	vld [tilespmem:$0x14020];
	_ =	sdelay $0x2  }
0x81: {  	v1 =	vadd.f32 v52, v53;
	_ =	sdelay $0x1  }
0x82: {  	v54 =	vld [tilespmem:s28+$0x180B0];
	v0 =	vadd.f32 v0, v1  }
0x83: {  	v55 =	vld [tilespmem:s28+$0x140B0]  }
0x84: {  	[tilespmem:s28+$0x140A0] =	vst v0  }
0x85: {  	v0 =	vld [tilespmem:$0x14030];
	_ =	sdelay $0x2  }
0x86: {  	v1 =	vadd.f32 v54, v55;
	_ =	sdelay $0x1  }
0x87: {  	v56 =	vld [tilespmem:s28+$0x180C0];
	v0 =	vadd.f32 v0, v1  }
0x88: {  	v57 =	vld [tilespmem:s28+$0x140C0]  }
0x89: {  	[tilespmem:s28+$0x140B0] =	vst v0  }
0x8a: {  	v0 =	vld [tilespmem:$0x14040];
	_ =	sdelay $0x2  }
0x8b: {  	v1 =	vadd.f32 v56, v57;
	_ =	sdelay $0x1  }
0x8c: {  	v58 =	vld [tilespmem:s28+$0x180D0];
	v0 =	vadd.f32 v0, v1  }
0x8d: {  	v59 =	vld [tilespmem:s28+$0x140D0]  }
0x8e: {  	[tilespmem:s28+$0x140C0] =	vst v0  }
0x8f: {  	v0 =	vld [tilespmem:$0x14050];
	_ =	sdelay $0x2  }
0x90: {  	v1 =	vadd.f32 v58, v59;
	_ =	sdelay $0x1  }
0x91: {  	v60 =	vld [tilespmem:s28+$0x180E0];
	v0 =	vadd.f32 v0, v1  }
0x92: {  	v61 =	vld [tilespmem:s28+$0x140E0]  }
0x93: {  	[tilespmem:s28+$0x140D0] =	vst v0  }
0x94: {  	v0 =	vld [tilespmem:$0x14060];
	_ =	sdelay $0x2  }
0x95: {  	v1 =	vadd.f32 v60, v61;
	_ =	sdelay $0x1  }
0x96: {  	v62 =	vld [tilespmem:s28+$0x180F0];
	v0 =	vadd.f32 v0, v1  }
0x97: {  	v63 =	vld [tilespmem:s28+$0x140F0]  }
0x98: {  	[tilespmem:s28+$0x140E0] =	vst v0  }
0x99: {  	v0 =	vld [tilespmem:$0x14070];
	_ =	sdelay $0x2  }
0x9a: {  	v1 =	vadd.f32 v62, v63;
	_ =	sdelay $0x1  }
0x9b: {  	s24 =	sshll.u32 s24, $0x7;
	s23 =	sadd.s32 $0x1, s23;
	v0 =	vadd.f32 v0, v1  }
0x9c: {  	s24 =	sand.u32 $0x3FFFFF80, s24;
	p0 =	sne.s32 s23, $0x5  }
.Ltmp1:
0x9d: {  	s24 =	sadd.s32 s24, s4;
	[tilespmem:s28+$0x140F0] =	vst v0;
	(pc) =	sbr.rel @p0 .LBB2_2-.Ltmp1, $4  }
0x9e: {  	[spmem:s24] =	stream.linear.scatter [tilespmem:s17], [sflag:$0x1], $0x4000, $0x38;
	[tilespmem:$0x1C180] =	vst v63  }
0x9f: {  	_ =	swait.ge [sflag:s16], $0x4000  }
0xa0: {  	[sflag:s16] =	ssyncset.done $0x0  }
0xa1: {  	[sflag:s16] =	ssyncadd.s32 $0xFFFFC000  }
0xa2: {  	[bflag:$0x0] =	sbarrier.arrive $0xFFFF;
	s23 =	simm.s32 $0x0;
	s24 =	simm.s32 $0x0  }
.LBB2_6:
0xa3: {  	s25 =	sshll.u32 s24, $0xC  }
0xa4: {  	s25 =	sor.u32 s13, s25  }
0xa5: {  	s26 =	sshrl.u32 s25, $0x3  }
0xa6: {  	s28 =	sadd.s32 s9, s26  }
0xa7: {  	[tilespmem:s19], [sflag:$0x1] =	stream.linear.gather [hbm4b:s28+s23], $0x80, $0x38;
	[tilespmem:$0x1C180] =	vst v63  }
0xa8: {  	_ =	swait.ge [sflag:s16], $0x80  }
0xa9: {  	[sflag:s16] =	ssyncset.done $0x0  }
0xaa: {  	s26 =	sadd.s32 s2, s26;
	[sflag:s16] =	ssyncadd.s32 $0xFFFFFF80  }
0xab: {  	[tilespmem:s20], [sflag:$0x1] =	stream.linear.gather [hbm4b:s26+s23], $0x80, $0x38;
	[tilespmem:$0x1C180] =	vst v63  }
0xac: {  	_ =	swait.ge [sflag:s16], $0x80  }
0xad: {  	[sflag:s16] =	ssyncset.done $0x0  }
0xae: {  	[sflag:s16] =	ssyncadd.s32 $0xFFFFFF80  }
0xaf: {  	[tilespmem:s17], [sflag:$0x1] =	stream.indirect.gather [spmem:s4], $0x80, s19, s21, $0xb8;
	[tilespmem:$0x1C180] =	vst v63  }
0xb0: {  	_ =	swait.ge [sflag:s16], $0x4000  }
0xb1: {  	[sflag:s16] =	ssyncset.done $0x0  }
0xb2: {  	[sflag:s16] =	ssyncadd.s32 $0xFFFFC000  }
0xb3: {  	[tilespmem:s18], [sflag:$0x1] =	stream.indirect.gather [hbm4b:s7+s21], $0x80, s20, s21, $0xb8;
	[tilespmem:$0x1C180] =	vst v63  }
0xb4: {  	_ =	swait.ge [sflag:s16], $0x4000  }
0xb5: {  	[sflag:s16] =	ssyncset.done $0x0  }
0xb6: {  	s26 =	simm.s32 $0x0;
	[sflag:s16] =	ssyncadd.s32 $0xFFFFC000  }
0xb7: {  	v7 =	vld [tilespmem:s26+$0x18080]  }
0xb8: {  	v11 =	vld [tilespmem:s26+$0x18090]  }
0xb9: {  	v5 =	vld [tilespmem:s26+$0x180A0]  }
0xba: {  	v4 =	vld [tilespmem:s26+$0x180B0]  }
0xbb: {  	v3 =	vld [tilespmem:s26+$0x180C0]  }
0xbc: {  	v2 =	vld [tilespmem:s26+$0x180D0]  }
0xbd: {  	v1 =	vld [tilespmem:s26+$0x180E0]  }
0xbe: {  	v0 =	vld [tilespmem:s26+$0x180F0]  }
0xbf: {  	v12 =	vld [tilespmem:s26+$0x14080]  }
0xc0: {  	v13 =	vld [tilespmem:s26+$0x14090]  }
0xc1: {  	v10 =	vld [tilespmem:s26+$0x140A0]  }
0xc2: {  	v9 =	vld [tilespmem:s26+$0x140B0]  }
0xc3: {  	v8 =	vld [tilespmem:s26+$0x140C0]  }
0xc4: {  	v6 =	vld [tilespmem:s26+$0x140D0];
	v12 =	vsub.f32 v12, v7  }
0xc5: {  	s28 =	simm.s32 $0x200;
	v11 =	vsub.f32 v13, v11;
	v7 =	vld [tilespmem:s26+$0x140E0]  }
.LBB2_7:
0xc6: {  	s29 =	sshra.s32 s28, $0x2;
	p0 =	sne.s32 s28, $0xFE00;
	[tilespmem:s26+$0x14080] =	vst v12;
	v5 =	vsub.f32 v10, v5;
	v10 =	vld [tilespmem:s26+$0x140F0]  }
0xc7: {  	v12 =	vld [tilespmem:s29+$0x18080];
	[tilespmem:s26+$0x14090] =	vst v11;
	v4 =	vsub.f32 v9, v4  }
0xc8: {  	v11 =	vld [tilespmem:s29+$0x18090];
	[tilespmem:s26+$0x140A0] =	vst v5;
	v3 =	vsub.f32 v8, v3  }
0xc9: {  	v5 =	vld [tilespmem:s29+$0x180A0];
	[tilespmem:s26+$0x140B0] =	vst v4;
	v2 =	vsub.f32 v6, v2  }
0xca: {  	v4 =	vld [tilespmem:s29+$0x180B0];
	[tilespmem:s26+$0x140C0] =	vst v3;
	v1 =	vsub.f32 v7, v1  }
0xcb: {  	v3 =	vld [tilespmem:s29+$0x180C0];
	[tilespmem:s26+$0x140D0] =	vst v2;
	v0 =	vsub.f32 v10, v0  }
0xcc: {  	v2 =	vld [tilespmem:s29+$0x180D0];
	[tilespmem:s26+$0x140E0] =	vst v1  }
0xcd: {  	v1 =	vld [tilespmem:s29+$0x180E0];
	[tilespmem:s26+$0x140F0] =	vst v0;
	s26 =	smov.u32 s29  }
0xce: {  	v0 =	vld [tilespmem:s26+$0x180F0]  }
0xcf: {  	v6 =	vld [tilespmem:s26+$0x14080]  }
0xd0: {  	v7 =	vld [tilespmem:s26+$0x14090]  }
.Ltmp2:
0xd1: {  	v10 =	vld [tilespmem:s26+$0x140A0];
	(pc) =	sbr.rel @p0 .LBB2_7-.Ltmp2, $4  }
0xd2: {  	v9 =	vld [tilespmem:s26+$0x140B0]  }
0xd3: {  	v8 =	vld [tilespmem:s26+$0x140C0]  }
0xd4: {  	v12 =	vsub.f32 v6, v12;
	v6 =	vld [tilespmem:s26+$0x140D0]  }
0xd5: {  	s28 =	sadd.s32 $0x200, s28;
	v11 =	vsub.f32 v7, v11;
	v7 =	vld [tilespmem:s26+$0x140E0]  }
0xd6: {  	[tilespmem:s26+$0x14080] =	vst v12;
	v5 =	vsub.f32 v10, v5;
	v63 =	vld [tilespmem:s26+$0x140F0]  }
0xd7: {  	[tilespmem:s26+$0x14090] =	vst v11;
	v4 =	vsub.f32 v9, v4  }
0xd8: {  	[tilespmem:s26+$0x140A0] =	vst v5;
	v3 =	vsub.f32 v8, v3  }
0xd9: {  	[tilespmem:s26+$0x140B0] =	vst v4;
	v2 =	vsub.f32 v6, v2  }
0xda: {  	[tilespmem:s26+$0x140C0] =	vst v3;
	v1 =	vsub.f32 v7, v1  }
0xdb: {  	s24 =	sadd.s32 $0x1, s24;
	[tilespmem:s26+$0x140D0] =	vst v2;
	v0 =	vsub.f32 v63, v0  }
0xdc: {  	s25 =	sshll.u32 s25, $0x4;
	p0 =	sne.s32 s24, s11;
	[tilespmem:s26+$0x140E0] =	vst v1  }
.Ltmp3:
0xdd: {  	s25 =	sadd.s32 s3, s25;
	[tilespmem:s26+$0x140F0] =	vst v0;
	(pc) =	sbr.rel @p0 .LBB2_6-.Ltmp3, $4  }
0xde: {  	[hbm4b:s25+s5] =	stream.linear.scatter [tilespmem:s17], [sflag:$0x1], $0x4000, $0x38;
	[tilespmem:$0x1C180] =	vst v63  }
0xdf: {  	_ =	swait.ge [sflag:s16], $0x4000  }
0xe0: {  	[sflag:s16] =	ssyncset.done $0x0  }
0xe1: {  	[sflag:s16] =	ssyncadd.s32 $0xFFFFC000  }
0xe2: {  	s22 =	sadd.s32 $0x1, s22  }
0xe3: {  	p0 =	sne.s32 s22, s14  }
.Ltmp4:
0xe4: {  	_ = 	snop;
	(pc) =	sbr.rel @p0 .LBB2_1-.Ltmp4, $1  }
0xe5: {  	_ =	sdelay $0x3  }
0xe6: {  	_ =	sfence.sel $0x180000  }
0xe7: {  	[bflag:$0x0] =	sbarrier.arrive $0xFFFF  }
0xe8: {  	p0 =	sne.s32 s6, $0x0;
	_ =	strace $0x9000004A  }
0xe9: {  	s0 =	sadd.s32 @!p0 $0x100000, s0;
	[bflag:$0x2] =	sbarrier.arrive $0xFFFF  }
0xea: {  	[sflag:s0] =	ssyncadd.tile.s32 @!p0 $0x1;
	_ =	shalt  }
.Lfunc_end2:
_tile_overlayer_lowered:
.L_overlay_start_2:
0xeb: {  	(tag) =	ssettag $0x2  }
0xec: {  	s0 =	rddreg [dreg:$0x0];
	s2 =	stileid.u32  }
0xed: {  	s1 =	rddreg [dreg:$0x1];
	p0 =	sne.s32 s2, $0x0  }
0xee: {  	s3 =	rddreg [dreg:$0x2];
	[bflag:$0x3] =	sbarrier.arrive $0xFFFF;
	s2 =	simm.s32 @!p0 $0x1C01  }
0xef: {  	[timem:s3], [sflag:s2] =	dma.local @!p0 [hbm:s0], s1  }
0xf0: {  	s0 =	simm.s32 @!p0 $0x1  }
0xf1: {  	_ =	swait.ge @!p0 [sflag:s0], s1  }
0xf2: {  	s1 =	ssub.s32 @!p0 $0x0, s1;
	[sflag:s0] =	ssyncset.done @!p0 $0x0  }
0xf3: {  	[sflag:s0] =	ssyncadd.s32 @!p0 s1  }
0xf4: {  	[bflag:$0x3] =	sbarrier.arrive $0xFFFF  }
0xf5: {  	_ =	shalt  }

</sc_bundles>
